<compile_context>
chip_gen: v7x
topology: tpu7x:2x2x1
jax: 0.10.2.dev20260603
libtpu: 0.0.44.dev20260713+nightly
codegen_flags: <defaults>
</compile_context>

<pallas_src>
import functools

import jax
import jax.numpy as jnp
from jax import lax
from jax.experimental import pallas as pl
from jax.experimental.pallas import tpu as pltpu
from jax.experimental.pallas import tpu_sc as plsc

NU = 10000
NI = 10000
DIN = 128
H = 64
N = 10000
NC = 2
NS = 16
L = 16
E = 320000
CH = 128
NCHUNK = -(-E // (NS * CH))
EPT = NCHUNK * CH
EPAD = NS * EPT
RPT = 640
NACC = NS * RPT
DPAD = N + 8
RB = 1000



@functools.cache
def _make_segsum(with_counts: bool):
    mesh = plsc.VectorSubcoreMesh(
        core_axis_name="c", subcore_axis_name="s", num_cores=NC,
        num_subcores=NS)

    out_type = [jax.ShapeDtypeStruct((NC, NACC, H), jnp.float32)]
    scratch = [
        pltpu.VMEM((NCHUNK, CH), jnp.int32),
        pltpu.VMEM((NCHUNK, CH), jnp.int32),
        pltpu.VMEM((2, CH, H), jnp.float32),
        pltpu.VMEM((64, H), jnp.float32),
        pltpu.VMEM_SHARED((NACC, H), jnp.float32),
        pltpu.SemaphoreType.DMA((2,)),
    ]
    if with_counts:
        out_type.append(jax.ShapeDtypeStruct((NC, NS, RPT, L), jnp.float32))
        scratch += [
            pltpu.VMEM((CH, L), jnp.float32),
            pltpu.VMEM((RPT, L), jnp.float32),
            pltpu.VMEM_SHARED((NACC, L), jnp.float32),
        ]

    def body(tab, idx_src, idx_dst, *rest):
        if with_counts:
            (out_s, out_inv, src_v, dst_v, rows_v, zb_v, acc_sh, sem,
             ones_v, inv_v, cnt_sh) = rest
        else:
            out_s, src_v, dst_v, rows_v, zb_v, acc_sh, sem = rest

        c = lax.axis_index("c")
        s = lax.axis_index("s")
        w = c * NS + s
        zeros16 = jnp.zeros((L,), jnp.float32)

        def zb_loop(i, carry):
            for k in range(H // L):
                zb_v[i, pl.ds(k * L, L)] = zeros16
            return carry
        lax.fori_loop(0, 64, zb_loop, 0)
        for t in range(RPT // 64):
            pltpu.sync_copy(zb_v, acc_sh.at[pl.ds(s * RPT + t * 64, 64)])

        if with_counts:
            onehot = jnp.where(lax.iota(jnp.int32, L) == 0,
                               jnp.float32(1), jnp.float32(0))

            def oh_loop(i, carry):
                ones_v[i, pl.ds(0, L)] = onehot
                return carry
            lax.fori_loop(0, CH, oh_loop, 0)

            def zc_loop(i, carry):
                inv_v[i, pl.ds(0, L)] = zeros16
                return carry
            lax.fori_loop(0, RPT, zc_loop, 0)
            pltpu.sync_copy(inv_v, cnt_sh.at[pl.ds(s * RPT, RPT)])

        pltpu.sync_copy(idx_src.at[w], src_v)
        pltpu.sync_copy(idx_dst.at[w], dst_v)
        plsc.subcore_barrier()

        pltpu.async_copy(tab.at[src_v.at[0]], rows_v.at[0], sem.at[0])

        def edge_loop(j, carry):
            b = lax.rem(j, 2)
            nb = lax.rem(j + 1, 2)

            @pl.when(j + 1 < NCHUNK)
            def _():
                pltpu.async_copy(tab.at[src_v.at[j + 1]], rows_v.at[nb],
                                 sem.at[nb])
            pltpu.make_async_copy(tab.at[src_v.at[j]], rows_v.at[b],
                                  sem.at[b]).wait()
            pltpu.sync_copy(rows_v.at[b], acc_sh.at[dst_v.at[j]], add=True)
            if with_counts:
                pltpu.sync_copy(ones_v, cnt_sh.at[dst_v.at[j]], add=True)
            return carry
        lax.fori_loop(0, NCHUNK, edge_loop, 0)

        plsc.subcore_barrier()

        pltpu.sync_copy(acc_sh.at[pl.ds(s * RPT, RPT)],
                        out_s.at[c, pl.ds(s * RPT, RPT)])
        if with_counts:
            pltpu.sync_copy(cnt_sh.at[pl.ds(s * RPT, RPT)], inv_v)

            def inv_loop(i, carry):
                v = inv_v[i, pl.ds(0, L)]
                inv_v[i, pl.ds(0, L)] = 1.0 / jnp.maximum(v, 1.0)
                return carry
            lax.fori_loop(0, RPT, inv_loop, 0)
            pltpu.sync_copy(inv_v, out_inv.at[c, s])

    return pl.kernel(
        body, out_type=out_type, mesh=mesh, scratch_types=scratch,
        compiler_params=pltpu.CompilerParams(use_tc_tiling_on_sc=False))



def _full(shape):
    return pl.BlockSpec(shape, lambda i: tuple(0 for _ in shape))


def _tc1_body(xu, xi, wpu, bpu, wpi, bpi, wl_r, wr_r, blr, wl_v, wr_v, blv,
              tab, root):
    hu = jax.nn.relu(jnp.dot(xu[...], wpu[...],
                             preferred_element_type=jnp.float32) + bpu[...])
    hi = jax.nn.relu(jnp.dot(xi[...], wpi[...],
                             preferred_element_type=jnp.float32) + bpi[...])
    tab[0] = jnp.dot(hu, wl_r[...], preferred_element_type=jnp.float32)
    tab[1] = jnp.dot(hi, wl_v[...], preferred_element_type=jnp.float32)
    root[0] = jnp.dot(hi, wr_r[...],
                      preferred_element_type=jnp.float32) + blr[...]
    root[1] = jnp.dot(hu, wr_v[...],
                      preferred_element_type=jnp.float32) + blv[...]


def _tc2_body(ssum, inv, root0, wl_r, wr_r, blr, wl_v, wr_v, blv, tab, root):
    hi = jax.nn.relu(ssum[0] * inv[0] + root0[0])
    hu = jax.nn.relu(ssum[1] * inv[1] + root0[1])
    tab[0] = jnp.dot(hu, wl_r[...], preferred_element_type=jnp.float32)
    tab[1] = jnp.dot(hi, wl_v[...], preferred_element_type=jnp.float32)
    root[0] = jnp.dot(hi, wr_r[...],
                      preferred_element_type=jnp.float32) + blr[...]
    root[1] = jnp.dot(hu, wr_v[...],
                      preferred_element_type=jnp.float32) + blv[...]


def _tc3_body(ssum, inv, root1, wfu, bfu, wfi, bfi, out_u, out_i):
    hi = jax.nn.relu(ssum[0] * inv[0] + root1[0])
    hu = jax.nn.relu(ssum[1] * inv[1] + root1[1])
    out_u[...] = jnp.dot(hu, wfu[...],
                         preferred_element_type=jnp.float32) + bfu[...]
    out_i[...] = jnp.dot(hi, wfi[...],
                         preferred_element_type=jnp.float32) + bfi[...]


_G = N // RB
_b2 = pl.BlockSpec((2, RB, H), lambda i: (0, i, 0))
_b2i = pl.BlockSpec((2, RB, 1), lambda i: (0, i, 0))
_b1 = pl.BlockSpec((RB, H), lambda i: (i, 0))

_tc1 = pl.pallas_call(
    _tc1_body,
    grid=(_G,),
    in_specs=[
        pl.BlockSpec((RB, DIN), lambda i: (i, 0)),
        pl.BlockSpec((RB, DIN), lambda i: (i, 0)),
        _full((DIN, H)), _full((1, H)), _full((DIN, H)), _full((1, H)),
        _full((H, H)), _full((H, H)), _full((1, H)),
        _full((H, H)), _full((H, H)), _full((1, H)),
    ],
    out_specs=[_b2, _b2],
    out_shape=[jax.ShapeDtypeStruct((2, N, H), jnp.float32)] * 2,
)

_tc2 = pl.pallas_call(
    _tc2_body,
    grid=(_G,),
    in_specs=[
        _b2, _b2i, _b2,
        _full((H, H)), _full((H, H)), _full((1, H)),
        _full((H, H)), _full((H, H)), _full((1, H)),
    ],
    out_specs=[_b2, _b2],
    out_shape=[jax.ShapeDtypeStruct((2, N, H), jnp.float32)] * 2,
)

_tc3 = pl.pallas_call(
    _tc3_body,
    grid=(_G,),
    in_specs=[
        _b2, _b2i, _b2,
        _full((H, H)), _full((1, H)), _full((H, H)), _full((1, H)),
    ],
    out_specs=[_b1, _b1],
    out_shape=[jax.ShapeDtypeStruct((N, H), jnp.float32)] * 2,
)



def _pad_edges(src, dst, src_off):
    pad = EPAD - E
    src = jnp.concatenate(
        [src.astype(jnp.int32) + src_off, jnp.zeros((pad,), jnp.int32)])
    dst = jnp.concatenate(
        [dst.astype(jnp.int32), jnp.full((pad,), DPAD, jnp.int32)])
    return src.reshape(NS, NCHUNK, CH), dst.reshape(NS, NCHUNK, CH)


@jax.jit
def kernel(x_user, x_item, edge_index_rates, edge_index_rev,
           Wp_user, bp_user, Wp_item, bp_item,
           Wl0_rates, bl0_rates, Wr0_rates, Wl0_rev, bl0_rev, Wr0_rev,
           Wl1_rates, bl1_rates, Wr1_rates, Wl1_rev, bl1_rev, Wr1_rev,
           Wf_user, bf_user, Wf_item, bf_item):
    src_r, dst_r = _pad_edges(edge_index_rates[0], edge_index_rates[1], 0)
    src_v, dst_v = _pad_edges(edge_index_rev[0], edge_index_rev[1], N)
    idx_src = jnp.concatenate([src_r[None], src_v[None]]).reshape(
        NC * NS, NCHUNK, CH)
    idx_dst = jnp.concatenate([dst_r[None], dst_v[None]]).reshape(
        NC * NS, NCHUNK, CH)

    b2 = lambda b: b.reshape(1, H)
    tab0, root0 = _tc1(x_user, x_item, Wp_user, b2(bp_user), Wp_item,
                       b2(bp_item), Wl0_rates, Wr0_rates, b2(bl0_rates),
                       Wl0_rev, Wr0_rev, b2(bl0_rev))

    s0, inv_raw = _make_segsum(True)(tab0.reshape(NC * N, H), idx_src,
                                     idx_dst)
    inv = inv_raw.reshape(NC, NACC, L)[:, :, :1]

    tab1, root1 = _tc2(s0, inv, root0, Wl1_rates, Wr1_rates, b2(bl1_rates),
                       Wl1_rev, Wr1_rev, b2(bl1_rev))

    (s1,) = _make_segsum(False)(tab1.reshape(NC * N, H), idx_src, idx_dst)

    out_user, out_item = _tc3(s1, inv, root1, Wf_user, b2(bf_user),
                              Wf_item, b2(bf_item))
    return (out_user, out_item)

# --- scband reference (transcript-rebuilt; emitter-appended) ---
"""Pipeline reference for scband-hetero-rgcn-link-predictor-31396210933902 (READ-ONLY COPY).

The authoritative reference and input builder live on the scoring server;
editing this copy changes nothing except your own understanding.
"""

import jax, jax.numpy as jnp
import numpy as np

NU = 10000
NI = 10000
DIN = 128
H = 64
OUT = 64
E = 320000


def _glorot(key, shape):
    lim = float(np.sqrt(6.0 / (shape[0] + shape[1])))
    return jax.random.uniform(key, shape, minval=-lim, maxval=lim, dtype=jnp.float32)


def setup_inputs(seed: int = 0):
    key = jax.random.key(seed)
    ks = jax.random.split(key, 32)
    inp = {}
    inp['x_user'] = jax.random.normal(ks[0], (NU, DIN), dtype=jnp.float32)
    inp['x_item'] = jax.random.normal(ks[1], (NI, DIN), dtype=jnp.float32)
    # edge_index_rates: row0 = user (src) idx, row1 = item (dst) idx
    inp['edge_index_rates'] = jax.random.randint(ks[2], (2, E), 0, NU, dtype=jnp.int64)
    # edge_index_rev: row0 = item (src) idx, row1 = user (dst) idx
    inp['edge_index_rev'] = jax.random.randint(ks[3], (2, E), 0, NI, dtype=jnp.int64)
    # input projections
    inp['Wp_user'] = _glorot(ks[4], (DIN, H)); inp['bp_user'] = jnp.zeros((H,), jnp.float32)
    inp['Wp_item'] = _glorot(ks[5], (DIN, H)); inp['bp_item'] = jnp.zeros((H,), jnp.float32)
    # SAGEConv params per layer per relation: Wl (neighbor/lin_l, with bias), Wr (root/lin_r)
    inp['Wl0_rates'] = _glorot(ks[6], (H, H)); inp['bl0_rates'] = jnp.zeros((H,), jnp.float32); inp['Wr0_rates'] = _glorot(ks[7], (H, H))
    inp['Wl0_rev'] = _glorot(ks[8], (H, H)); inp['bl0_rev'] = jnp.zeros((H,), jnp.float32); inp['Wr0_rev'] = _glorot(ks[9], (H, H))
    inp['Wl1_rates'] = _glorot(ks[10], (H, H)); inp['bl1_rates'] = jnp.zeros((H,), jnp.float32); inp['Wr1_rates'] = _glorot(ks[11], (H, H))
    inp['Wl1_rev'] = _glorot(ks[12], (H, H)); inp['bl1_rev'] = jnp.zeros((H,), jnp.float32); inp['Wr1_rev'] = _glorot(ks[13], (H, H))
    # final projections
    inp['Wf_user'] = _glorot(ks[14], (H, OUT)); inp['bf_user'] = jnp.zeros((OUT,), jnp.float32)
    inp['Wf_item'] = _glorot(ks[15], (H, OUT)); inp['bf_item'] = jnp.zeros((OUT,), jnp.float32)
    return inp


def _sage(x_src, x_dst, ei, Wl, bl, Wr, n_dst):
    # SAGEConv with mean aggregation: lin_l(mean_{j in N(i)} x_j) + lin_r(x_i)
    msg = jnp.take(x_src, ei[0], axis=0)
    summed = jax.ops.segment_sum(msg, ei[1], num_segments=n_dst)
    cnt = jax.ops.segment_sum(jnp.ones((ei.shape[1],), dtype=x_src.dtype), ei[1], num_segments=n_dst)
    mean = summed / jnp.maximum(cnt, 1.0)[:, None]
    return mean @ Wl + bl + x_dst @ Wr


def reference(x_user, x_item, edge_index_rates, edge_index_rev,
              Wp_user, bp_user, Wp_item, bp_item,
              Wl0_rates, bl0_rates, Wr0_rates, Wl0_rev, bl0_rev, Wr0_rev,
              Wl1_rates, bl1_rates, Wr1_rates, Wl1_rev, bl1_rev, Wr1_rev,
              Wf_user, bf_user, Wf_item, bf_item):
    # input projection + relu
    hu = jax.nn.relu(x_user @ Wp_user + bp_user)
    hi = jax.nn.relu(x_item @ Wp_item + bp_item)
    # layer 0 (HeteroConv aggr='mean': each dst type has exactly one incoming relation here)
    hi_new = jax.nn.relu(_sage(hu, hi, edge_index_rates, Wl0_rates, bl0_rates, Wr0_rates, NI))
    hu_new = jax.nn.relu(_sage(hi, hu, edge_index_rev, Wl0_rev, bl0_rev, Wr0_rev, NU))
    hu, hi = hu_new, hi_new  # dropout p=0.5 is identity in eval mode
    # layer 1
    hi_new = jax.nn.relu(_sage(hu, hi, edge_index_rates, Wl1_rates, bl1_rates, Wr1_rates, NI))
    hu_new = jax.nn.relu(_sage(hi, hu, edge_index_rev, Wl1_rev, bl1_rev, Wr1_rev, NU))
    hu, hi = hu_new, hi_new
    out_user = hu @ Wf_user + bf_user
    out_item = hi @ Wf_item + bf_item
    return (out_user, out_item)

if __name__ == "__main__":
    import jax
    _d = setup_inputs()
    print(jax.jit(kernel)(*tuple(_d.values())))

</pallas_src>

<mosaic_0001>
#map = affine_map<(d0, d1) -> (0, 0)>
#map1 = affine_map<(d0, d1) -> (0, 0, 0)>
#map2 = affine_map<(d0, d1) -> (0, 0, 0, 0)>
module attributes {stable_mosaic.version = 14 : i64} {
  func.func @body(%arg0: i32, %arg1: i32, %arg2: memref<20000x64xf32, #tpu.memory_space<hbm>>, %arg3: memref<32x157x128xi32, #tpu.memory_space<hbm>>, %arg4: memref<32x157x128xi32, #tpu.memory_space<hbm>>, %arg5: memref<2x10240x64xf32, #tpu.memory_space<hbm>>, %arg6: memref<2x16x640x16xf32, #tpu.memory_space<hbm>>, %arg7: memref<157x128xi32, #tpu.memory_space<vmem>>, %arg8: memref<157x128xi32, #tpu.memory_space<vmem>>, %arg9: memref<2x128x64xf32, #tpu.memory_space<vmem>>, %arg10: memref<64x64xf32, #tpu.memory_space<vmem>>, %arg11: memref<10240x64xf32, #tpu.memory_space<vmem_shared>>, %arg12: memref<2x!tpu.dma_semaphore, #tpu.memory_space<semaphore_mem>>, %arg13: memref<128x16xf32, #tpu.memory_space<vmem>>, %arg14: memref<640x16xf32, #tpu.memory_space<vmem>>, %arg15: memref<10240x16xf32, #tpu.memory_space<vmem_shared>>) attributes {dimension_semantics = [#tpu.dimension_semantics<core_parallel>, #tpu.dimension_semantics<subcore_parallel>], iteration_bounds = array<i64: 2, 16>, scalar_prefetch = 0 : i64, scratch_operands = 9 : i64, tpu.core_type = #tpu.core_type<sc_vector_subcore>, window_params = [{transform_indices = #map}, {transform_indices = #map1}, {transform_indices = #map1}, {transform_indices = #map1}, {transform_indices = #map2}]} {
    %mul3A = arith.constant 16 : i32
    %mul3A_0 = arith.muli %arg0, %mul3A : i32
    %add3A = arith.addi %mul3A_0, %arg1 : i32
    %broadcast_in_dim3A = arith.constant 0.000000e+00 : f32
    %broadcast_in_dim3A_1 = vector.broadcast %broadcast_in_dim3A : f32 to vector<16xf32>
    %scan3A = arith.constant 0 : i32
    %scan3A_2 = arith.constant 0 : i32
    %scan3A_3 = arith.constant 64 : i32
    %scan3A_4 = arith.addi %scan3A_2, %scan3A_3 : i32
    %scan3A_5 = arith.constant 1 : i32
    scf.for %scan3A_99 = %scan3A_2 to %scan3A_4 step %scan3A_5  : i32 {
      %swap3A = arith.index_cast %scan3A_99 : i32 to index
      %swap3A_100 = arith.constant 0 : index
      %swap3A_101 = tpu.vector_load %arg10[%swap3A, %swap3A_100] {strides = array<i32>} : memref<64x64xf32, #tpu.memory_space<vmem>>, vector<1x16xf32>,
      %swap3A_102 = vector.shape_cast %swap3A_101 : vector<1x16xf32> to vector<16xf32>
      %swap3A_103 = vector.shape_cast %broadcast_in_dim3A_1 : vector<16xf32> to vector<1x16xf32>
      tpu.vector_store %arg10[%swap3A, %swap3A_100], %swap3A_103 {strides = array<i32>} : memref<64x64xf32, #tpu.memory_space<vmem>>, vector<1x16xf32>,
      %swap3A_104 = arith.index_cast %scan3A_99 : i32 to index
      %swap3A_105 = arith.constant 16 : index
      %swap3A_106 = tpu.vector_load %arg10[%swap3A_104, %swap3A_105] {strides = array<i32>} : memref<64x64xf32, #tpu.memory_space<vmem>>, vector<1x16xf32>,
      %swap3A_107 = vector.shape_cast %swap3A_106 : vector<1x16xf32> to vector<16xf32>
      %swap3A_108 = vector.shape_cast %broadcast_in_dim3A_1 : vector<16xf32> to vector<1x16xf32>
      tpu.vector_store %arg10[%swap3A_104, %swap3A_105], %swap3A_108 {strides = array<i32>} : memref<64x64xf32, #tpu.memory_space<vmem>>, vector<1x16xf32>,
      %swap3A_109 = arith.index_cast %scan3A_99 : i32 to index
      %swap3A_110 = arith.constant 32 : index
      %swap3A_111 = tpu.vector_load %arg10[%swap3A_109, %swap3A_110] {strides = array<i32>} : memref<64x64xf32, #tpu.memory_space<vmem>>, vector<1x16xf32>,
      %swap3A_112 = vector.shape_cast %swap3A_111 : vector<1x16xf32> to vector<16xf32>
      %swap3A_113 = vector.shape_cast %broadcast_in_dim3A_1 : vector<16xf32> to vector<1x16xf32>
      tpu.vector_store %arg10[%swap3A_109, %swap3A_110], %swap3A_113 {strides = array<i32>} : memref<64x64xf32, #tpu.memory_space<vmem>>, vector<1x16xf32>,
      %swap3A_114 = arith.index_cast %scan3A_99 : i32 to index
      %swap3A_115 = arith.constant 48 : index
      %swap3A_116 = tpu.vector_load %arg10[%swap3A_114, %swap3A_115] {strides = array<i32>} : memref<64x64xf32, #tpu.memory_space<vmem>>, vector<1x16xf32>,
      %swap3A_117 = vector.shape_cast %swap3A_116 : vector<1x16xf32> to vector<16xf32>
      %swap3A_118 = vector.shape_cast %broadcast_in_dim3A_1 : vector<16xf32> to vector<1x16xf32>
      tpu.vector_store %arg10[%swap3A_114, %swap3A_115], %swap3A_118 {strides = array<i32>} : memref<64x64xf32, #tpu.memory_space<vmem>>, vector<1x16xf32>,
    }
    %scan3A_6 = arith.constant 64 : i32
    %mul3A_7 = arith.constant 640 : i32
    %mul3A_8 = arith.muli %arg1, %mul3A_7 : i32
    %add3A_9 = arith.constant 0 : i32
    %add3A_10 = arith.addi %mul3A_8, %add3A_9 : i32
    "tpu.region"() ({
      %run_scoped3A = tpu.sem_alloc : memref<!tpu.dma_semaphore, #tpu.memory_space<semaphore_mem>>
      %dma_start3A_99 = arith.constant 0 : i32
      %dma_start3A_100 = tpu.memref_slice %arg11[%add3A_10, %dma_start3A_99] : memref<10240x64xf32, #tpu.memory_space<vmem_shared>> -> memref<64x64xf32, #tpu.memory_space<vmem_shared>>
      %dma_start3A_101 = arith.constant 0 : i32
      %dma_start3A_102 = tpu.memref_slice %arg11[%add3A_10, %dma_start3A_101] : memref<10240x64xf32, #tpu.memory_space<vmem_shared>> -> memref<64x64xf32, #tpu.memory_space<vmem_shared>>
      tpu.enqueue_dma source(%arg10 : memref<64x64xf32, #tpu.memory_space<vmem>>) target(%dma_start3A_102 : memref<64x64xf32, #tpu.memory_space<vmem_shared>>) target_semaphore(%run_scoped3A : memref<!tpu.dma_semaphore, #tpu.memory_space<semaphore_mem>>)
      %dma_wait3A = arith.constant 0 : i32
      %dma_wait3A_103 = tpu.memref_slice %arg11[%add3A_10, %dma_wait3A] : memref<10240x64xf32, #tpu.memory_space<vmem_shared>> -> memref<64x64xf32, #tpu.memory_space<vmem_shared>>
      %dma_wait3A_104 = arith.constant 0 : i32
      %dma_wait3A_105 = tpu.memref_slice %arg11[%add3A_10, %dma_wait3A_104] : memref<10240x64xf32, #tpu.memory_space<vmem_shared>> -> memref<64x64xf32, #tpu.memory_space<vmem_shared>>
      tpu.wait_dma2 semaphore(%run_scoped3A : memref<!tpu.dma_semaphore, #tpu.memory_space<semaphore_mem>>) src(%arg10 : memref<64x64xf32, #tpu.memory_space<vmem>>) dst(%dma_wait3A_105 : memref<64x64xf32, #tpu.memory_space<vmem_shared>>)
      tpu.yield
    }) : () -> ()
    %mul3A_11 = arith.constant 640 : i32
    %mul3A_12 = arith.muli %arg1, %mul3A_11 : i32
    %add3A_13 = arith.constant 64 : i32
    %add3A_14 = arith.addi %mul3A_12, %add3A_13 : i32
    "tpu.region"() ({
      %run_scoped3A = tpu.sem_alloc : memref<!tpu.dma_semaphore, #tpu.memory_space<semaphore_mem>>
      %dma_start3A_99 = arith.constant 0 : i32
      %dma_start3A_100 = tpu.memref_slice %arg11[%add3A_14, %dma_start3A_99] : memref<10240x64xf32, #tpu.memory_space<vmem_shared>> -> memref<64x64xf32, #tpu.memory_space<vmem_shared>>
      %dma_start3A_101 = arith.constant 0 : i32
      %dma_start3A_102 = tpu.memref_slice %arg11[%add3A_14, %dma_start3A_101] : memref<10240x64xf32, #tpu.memory_space<vmem_shared>> -> memref<64x64xf32, #tpu.memory_space<vmem_shared>>
      tpu.enqueue_dma source(%arg10 : memref<64x64xf32, #tpu.memory_space<vmem>>) target(%dma_start3A_102 : memref<64x64xf32, #tpu.memory_space<vmem_shared>>) target_semaphore(%run_scoped3A : memref<!tpu.dma_semaphore, #tpu.memory_space<semaphore_mem>>)
      %dma_wait3A = arith.constant 0 : i32
      %dma_wait3A_103 = tpu.memref_slice %arg11[%add3A_14, %dma_wait3A] : memref<10240x64xf32, #tpu.memory_space<vmem_shared>> -> memref<64x64xf32, #tpu.memory_space<vmem_shared>>
      %dma_wait3A_104 = arith.constant 0 : i32
      %dma_wait3A_105 = tpu.memref_slice %arg11[%add3A_14, %dma_wait3A_104] : memref<10240x64xf32, #tpu.memory_space<vmem_shared>> -> memref<64x64xf32, #tpu.memory_space<vmem_shared>>
      tpu.wait_dma2 semaphore(%run_scoped3A : memref<!tpu.dma_semaphore, #tpu.memory_space<semaphore_mem>>) src(%arg10 : memref<64x64xf32, #tpu.memory_space<vmem>>) dst(%dma_wait3A_105 : memref<64x64xf32, #tpu.memory_space<vmem_shared>>)
      tpu.yield
    }) : () -> ()
    %mul3A_15 = arith.constant 640 : i32
    %mul3A_16 = arith.muli %arg1, %mul3A_15 : i32
    %add3A_17 = arith.constant 128 : i32
    %add3A_18 = arith.addi %mul3A_16, %add3A_17 : i32
    "tpu.region"() ({
      %run_scoped3A = tpu.sem_alloc : memref<!tpu.dma_semaphore, #tpu.memory_space<semaphore_mem>>
      %dma_start3A_99 = arith.constant 0 : i32
      %dma_start3A_100 = tpu.memref_slice %arg11[%add3A_18, %dma_start3A_99] : memref<10240x64xf32, #tpu.memory_space<vmem_shared>> -> memref<64x64xf32, #tpu.memory_space<vmem_shared>>
      %dma_start3A_101 = arith.constant 0 : i32
      %dma_start3A_102 = tpu.memref_slice %arg11[%add3A_18, %dma_start3A_101] : memref<10240x64xf32, #tpu.memory_space<vmem_shared>> -> memref<64x64xf32, #tpu.memory_space<vmem_shared>>
      tpu.enqueue_dma source(%arg10 : memref<64x64xf32, #tpu.memory_space<vmem>>) target(%dma_start3A_102 : memref<64x64xf32, #tpu.memory_space<vmem_shared>>) target_semaphore(%run_scoped3A : memref<!tpu.dma_semaphore, #tpu.memory_space<semaphore_mem>>)
      %dma_wait3A = arith.constant 0 : i32
      %dma_wait3A_103 = tpu.memref_slice %arg11[%add3A_18, %dma_wait3A] : memref<10240x64xf32, #tpu.memory_space<vmem_shared>> -> memref<64x64xf32, #tpu.memory_space<vmem_shared>>
      %dma_wait3A_104 = arith.constant 0 : i32
      %dma_wait3A_105 = tpu.memref_slice %arg11[%add3A_18, %dma_wait3A_104] : memref<10240x64xf32, #tpu.memory_space<vmem_shared>> -> memref<64x64xf32, #tpu.memory_space<vmem_shared>>
      tpu.wait_dma2 semaphore(%run_scoped3A : memref<!tpu.dma_semaphore, #tpu.memory_space<semaphore_mem>>) src(%arg10 : memref<64x64xf32, #tpu.memory_space<vmem>>) dst(%dma_wait3A_105 : memref<64x64xf32, #tpu.memory_space<vmem_shared>>)
      tpu.yield
    }) : () -> ()
    %mul3A_19 = arith.constant 640 : i32
    %mul3A_20 = arith.muli %arg1, %mul3A_19 : i32
    %add3A_21 = arith.constant 192 : i32
    %add3A_22 = arith.addi %mul3A_20, %add3A_21 : i32
    "tpu.region"() ({
      %run_scoped3A = tpu.sem_alloc : memref<!tpu.dma_semaphore, #tpu.memory_space<semaphore_mem>>
      %dma_start3A_99 = arith.constant 0 : i32
      %dma_start3A_100 = tpu.memref_slice %arg11[%add3A_22, %dma_start3A_99] : memref<10240x64xf32, #tpu.memory_space<vmem_shared>> -> memref<64x64xf32, #tpu.memory_space<vmem_shared>>
      %dma_start3A_101 = arith.constant 0 : i32
      %dma_start3A_102 = tpu.memref_slice %arg11[%add3A_22, %dma_start3A_101] : memref<10240x64xf32, #tpu.memory_space<vmem_shared>> -> memref<64x64xf32, #tpu.memory_space<vmem_shared>>
      tpu.enqueue_dma source(%arg10 : memref<64x64xf32, #tpu.memory_space<vmem>>) target(%dma_start3A_102 : memref<64x64xf32, #tpu.memory_space<vmem_shared>>) target_semaphore(%run_scoped3A : memref<!tpu.dma_semaphore, #tpu.memory_space<semaphore_mem>>)
      %dma_wait3A = arith.constant 0 : i32
      %dma_wait3A_103 = tpu.memref_slice %arg11[%add3A_22, %dma_wait3A] : memref<10240x64xf32, #tpu.memory_space<vmem_shared>> -> memref<64x64xf32, #tpu.memory_space<vmem_shared>>
      %dma_wait3A_104 = arith.constant 0 : i32
      %dma_wait3A_105 = tpu.memref_slice %arg11[%add3A_22, %dma_wait3A_104] : memref<10240x64xf32, #tpu.memory_space<vmem_shared>> -> memref<64x64xf32, #tpu.memory_space<vmem_shared>>
      tpu.wait_dma2 semaphore(%run_scoped3A : memref<!tpu.dma_semaphore, #tpu.memory_space<semaphore_mem>>) src(%arg10 : memref<64x64xf32, #tpu.memory_space<vmem>>) dst(%dma_wait3A_105 : memref<64x64xf32, #tpu.memory_space<vmem_shared>>)
      tpu.yield
    }) : () -> ()
    %mul3A_23 = arith.constant 640 : i32
    %mul3A_24 = arith.muli %arg1, %mul3A_23 : i32
    %add3A_25 = arith.constant 256 : i32
    %add3A_26 = arith.addi %mul3A_24, %add3A_25 : i32
    "tpu.region"() ({
      %run_scoped3A = tpu.sem_alloc : memref<!tpu.dma_semaphore, #tpu.memory_space<semaphore_mem>>
      %dma_start3A_99 = arith.constant 0 : i32
      %dma_start3A_100 = tpu.memref_slice %arg11[%add3A_26, %dma_start3A_99] : memref<10240x64xf32, #tpu.memory_space<vmem_shared>> -> memref<64x64xf32, #tpu.memory_space<vmem_shared>>
      %dma_start3A_101 = arith.constant 0 : i32
      %dma_start3A_102 = tpu.memref_slice %arg11[%add3A_26, %dma_start3A_101] : memref<10240x64xf32, #tpu.memory_space<vmem_shared>> -> memref<64x64xf32, #tpu.memory_space<vmem_shared>>
      tpu.enqueue_dma source(%arg10 : memref<64x64xf32, #tpu.memory_space<vmem>>) target(%dma_start3A_102 : memref<64x64xf32, #tpu.memory_space<vmem_shared>>) target_semaphore(%run_scoped3A : memref<!tpu.dma_semaphore, #tpu.memory_space<semaphore_mem>>)
      %dma_wait3A = arith.constant 0 : i32
      %dma_wait3A_103 = tpu.memref_slice %arg11[%add3A_26, %dma_wait3A] : memref<10240x64xf32, #tpu.memory_space<vmem_shared>> -> memref<64x64xf32, #tpu.memory_space<vmem_shared>>
      %dma_wait3A_104 = arith.constant 0 : i32
      %dma_wait3A_105 = tpu.memref_slice %arg11[%add3A_26, %dma_wait3A_104] : memref<10240x64xf32, #tpu.memory_space<vmem_shared>> -> memref<64x64xf32, #tpu.memory_space<vmem_shared>>
      tpu.wait_dma2 semaphore(%run_scoped3A : memref<!tpu.dma_semaphore, #tpu.memory_space<semaphore_mem>>) src(%arg10 : memref<64x64xf32, #tpu.memory_space<vmem>>) dst(%dma_wait3A_105 : memref<64x64xf32, #tpu.memory_space<vmem_shared>>)
      tpu.yield
    }) : () -> ()
    %mul3A_27 = arith.constant 640 : i32
    %mul3A_28 = arith.muli %arg1, %mul3A_27 : i32
    %add3A_29 = arith.constant 320 : i32
    %add3A_30 = arith.addi %mul3A_28, %add3A_29 : i32
    "tpu.region"() ({
      %run_scoped3A = tpu.sem_alloc : memref<!tpu.dma_semaphore, #tpu.memory_space<semaphore_mem>>
      %dma_start3A_99 = arith.constant 0 : i32
      %dma_start3A_100 = tpu.memref_slice %arg11[%add3A_30, %dma_start3A_99] : memref<10240x64xf32, #tpu.memory_space<vmem_shared>> -> memref<64x64xf32, #tpu.memory_space<vmem_shared>>
      %dma_start3A_101 = arith.constant 0 : i32
      %dma_start3A_102 = tpu.memref_slice %arg11[%add3A_30, %dma_start3A_101] : memref<10240x64xf32, #tpu.memory_space<vmem_shared>> -> memref<64x64xf32, #tpu.memory_space<vmem_shared>>
      tpu.enqueue_dma source(%arg10 : memref<64x64xf32, #tpu.memory_space<vmem>>) target(%dma_start3A_102 : memref<64x64xf32, #tpu.memory_space<vmem_shared>>) target_semaphore(%run_scoped3A : memref<!tpu.dma_semaphore, #tpu.memory_space<semaphore_mem>>)
      %dma_wait3A = arith.constant 0 : i32
      %dma_wait3A_103 = tpu.memref_slice %arg11[%add3A_30, %dma_wait3A] : memref<10240x64xf32, #tpu.memory_space<vmem_shared>> -> memref<64x64xf32, #tpu.memory_space<vmem_shared>>
      %dma_wait3A_104 = arith.constant 0 : i32
      %dma_wait3A_105 = tpu.memref_slice %arg11[%add3A_30, %dma_wait3A_104] : memref<10240x64xf32, #tpu.memory_space<vmem_shared>> -> memref<64x64xf32, #tpu.memory_space<vmem_shared>>
      tpu.wait_dma2 semaphore(%run_scoped3A : memref<!tpu.dma_semaphore, #tpu.memory_space<semaphore_mem>>) src(%arg10 : memref<64x64xf32, #tpu.memory_space<vmem>>) dst(%dma_wait3A_105 : memref<64x64xf32, #tpu.memory_space<vmem_shared>>)
      tpu.yield
    }) : () -> ()
    %mul3A_31 = arith.constant 640 : i32
    %mul3A_32 = arith.muli %arg1, %mul3A_31 : i32
    %add3A_33 = arith.constant 384 : i32
    %add3A_34 = arith.addi %mul3A_32, %add3A_33 : i32
    "tpu.region"() ({
      %run_scoped3A = tpu.sem_alloc : memref<!tpu.dma_semaphore, #tpu.memory_space<semaphore_mem>>
      %dma_start3A_99 = arith.constant 0 : i32
      %dma_start3A_100 = tpu.memref_slice %arg11[%add3A_34, %dma_start3A_99] : memref<10240x64xf32, #tpu.memory_space<vmem_shared>> -> memref<64x64xf32, #tpu.memory_space<vmem_shared>>
      %dma_start3A_101 = arith.constant 0 : i32
      %dma_start3A_102 = tpu.memref_slice %arg11[%add3A_34, %dma_start3A_101] : memref<10240x64xf32, #tpu.memory_space<vmem_shared>> -> memref<64x64xf32, #tpu.memory_space<vmem_shared>>
      tpu.enqueue_dma source(%arg10 : memref<64x64xf32, #tpu.memory_space<vmem>>) target(%dma_start3A_102 : memref<64x64xf32, #tpu.memory_space<vmem_shared>>) target_semaphore(%run_scoped3A : memref<!tpu.dma_semaphore, #tpu.memory_space<semaphore_mem>>)
      %dma_wait3A = arith.constant 0 : i32
      %dma_wait3A_103 = tpu.memref_slice %arg11[%add3A_34, %dma_wait3A] : memref<10240x64xf32, #tpu.memory_space<vmem_shared>> -> memref<64x64xf32, #tpu.memory_space<vmem_shared>>
      %dma_wait3A_104 = arith.constant 0 : i32
      %dma_wait3A_105 = tpu.memref_slice %arg11[%add3A_34, %dma_wait3A_104] : memref<10240x64xf32, #tpu.memory_space<vmem_shared>> -> memref<64x64xf32, #tpu.memory_space<vmem_shared>>
      tpu.wait_dma2 semaphore(%run_scoped3A : memref<!tpu.dma_semaphore, #tpu.memory_space<semaphore_mem>>) src(%arg10 : memref<64x64xf32, #tpu.memory_space<vmem>>) dst(%dma_wait3A_105 : memref<64x64xf32, #tpu.memory_space<vmem_shared>>)
      tpu.yield
    }) : () -> ()
    %mul3A_35 = arith.constant 640 : i32
    %mul3A_36 = arith.muli %arg1, %mul3A_35 : i32
    %add3A_37 = arith.constant 448 : i32
    %add3A_38 = arith.addi %mul3A_36, %add3A_37 : i32
    "tpu.region"() ({
      %run_scoped3A = tpu.sem_alloc : memref<!tpu.dma_semaphore, #tpu.memory_space<semaphore_mem>>
      %dma_start3A_99 = arith.constant 0 : i32
      %dma_start3A_100 = tpu.memref_slice %arg11[%add3A_38, %dma_start3A_99] : memref<10240x64xf32, #tpu.memory_space<vmem_shared>> -> memref<64x64xf32, #tpu.memory_space<vmem_shared>>
      %dma_start3A_101 = arith.constant 0 : i32
      %dma_start3A_102 = tpu.memref_slice %arg11[%add3A_38, %dma_start3A_101] : memref<10240x64xf32, #tpu.memory_space<vmem_shared>> -> memref<64x64xf32, #tpu.memory_space<vmem_shared>>
      tpu.enqueue_dma source(%arg10 : memref<64x64xf32, #tpu.memory_space<vmem>>) target(%dma_start3A_102 : memref<64x64xf32, #tpu.memory_space<vmem_shared>>) target_semaphore(%run_scoped3A : memref<!tpu.dma_semaphore, #tpu.memory_space<semaphore_mem>>)
      %dma_wait3A = arith.constant 0 : i32
      %dma_wait3A_103 = tpu.memref_slice %arg11[%add3A_38, %dma_wait3A] : memref<10240x64xf32, #tpu.memory_space<vmem_shared>> -> memref<64x64xf32, #tpu.memory_space<vmem_shared>>
      %dma_wait3A_104 = arith.constant 0 : i32
      %dma_wait3A_105 = tpu.memref_slice %arg11[%add3A_38, %dma_wait3A_104] : memref<10240x64xf32, #tpu.memory_space<vmem_shared>> -> memref<64x64xf32, #tpu.memory_space<vmem_shared>>
      tpu.wait_dma2 semaphore(%run_scoped3A : memref<!tpu.dma_semaphore, #tpu.memory_space<semaphore_mem>>) src(%arg10 : memref<64x64xf32, #tpu.memory_space<vmem>>) dst(%dma_wait3A_105 : memref<64x64xf32, #tpu.memory_space<vmem_shared>>)
      tpu.yield
    }) : () -> ()
    %mul3A_39 = arith.constant 640 : i32
    %mul3A_40 = arith.muli %arg1, %mul3A_39 : i32
    %add3A_41 = arith.constant 512 : i32
    %add3A_42 = arith.addi %mul3A_40, %add3A_41 : i32
    "tpu.region"() ({
      %run_scoped3A = tpu.sem_alloc : memref<!tpu.dma_semaphore, #tpu.memory_space<semaphore_mem>>
      %dma_start3A_99 = arith.constant 0 : i32
      %dma_start3A_100 = tpu.memref_slice %arg11[%add3A_42, %dma_start3A_99] : memref<10240x64xf32, #tpu.memory_space<vmem_shared>> -> memref<64x64xf32, #tpu.memory_space<vmem_shared>>
      %dma_start3A_101 = arith.constant 0 : i32
      %dma_start3A_102 = tpu.memref_slice %arg11[%add3A_42, %dma_start3A_101] : memref<10240x64xf32, #tpu.memory_space<vmem_shared>> -> memref<64x64xf32, #tpu.memory_space<vmem_shared>>
      tpu.enqueue_dma source(%arg10 : memref<64x64xf32, #tpu.memory_space<vmem>>) target(%dma_start3A_102 : memref<64x64xf32, #tpu.memory_space<vmem_shared>>) target_semaphore(%run_scoped3A : memref<!tpu.dma_semaphore, #tpu.memory_space<semaphore_mem>>)
      %dma_wait3A = arith.constant 0 : i32
      %dma_wait3A_103 = tpu.memref_slice %arg11[%add3A_42, %dma_wait3A] : memref<10240x64xf32, #tpu.memory_space<vmem_shared>> -> memref<64x64xf32, #tpu.memory_space<vmem_shared>>
      %dma_wait3A_104 = arith.constant 0 : i32
      %dma_wait3A_105 = tpu.memref_slice %arg11[%add3A_42, %dma_wait3A_104] : memref<10240x64xf32, #tpu.memory_space<vmem_shared>> -> memref<64x64xf32, #tpu.memory_space<vmem_shared>>
      tpu.wait_dma2 semaphore(%run_scoped3A : memref<!tpu.dma_semaphore, #tpu.memory_space<semaphore_mem>>) src(%arg10 : memref<64x64xf32, #tpu.memory_space<vmem>>) dst(%dma_wait3A_105 : memref<64x64xf32, #tpu.memory_space<vmem_shared>>)
      tpu.yield
    }) : () -> ()
    %mul3A_43 = arith.constant 640 : i32
    %mul3A_44 = arith.muli %arg1, %mul3A_43 : i32
    %add3A_45 = arith.constant 576 : i32
    %add3A_46 = arith.addi %mul3A_44, %add3A_45 : i32
    "tpu.region"() ({
      %run_scoped3A = tpu.sem_alloc : memref<!tpu.dma_semaphore, #tpu.memory_space<semaphore_mem>>
      %dma_start3A_99 = arith.constant 0 : i32
      %dma_start3A_100 = tpu.memref_slice %arg11[%add3A_46, %dma_start3A_99] : memref<10240x64xf32, #tpu.memory_space<vmem_shared>> -> memref<64x64xf32, #tpu.memory_space<vmem_shared>>
      %dma_start3A_101 = arith.constant 0 : i32
      %dma_start3A_102 = tpu.memref_slice %arg11[%add3A_46, %dma_start3A_101] : memref<10240x64xf32, #tpu.memory_space<vmem_shared>> -> memref<64x64xf32, #tpu.memory_space<vmem_shared>>
      tpu.enqueue_dma source(%arg10 : memref<64x64xf32, #tpu.memory_space<vmem>>) target(%dma_start3A_102 : memref<64x64xf32, #tpu.memory_space<vmem_shared>>) target_semaphore(%run_scoped3A : memref<!tpu.dma_semaphore, #tpu.memory_space<semaphore_mem>>)
      %dma_wait3A = arith.constant 0 : i32
      %dma_wait3A_103 = tpu.memref_slice %arg11[%add3A_46, %dma_wait3A] : memref<10240x64xf32, #tpu.memory_space<vmem_shared>> -> memref<64x64xf32, #tpu.memory_space<vmem_shared>>
      %dma_wait3A_104 = arith.constant 0 : i32
      %dma_wait3A_105 = tpu.memref_slice %arg11[%add3A_46, %dma_wait3A_104] : memref<10240x64xf32, #tpu.memory_space<vmem_shared>> -> memref<64x64xf32, #tpu.memory_space<vmem_shared>>
      tpu.wait_dma2 semaphore(%run_scoped3A : memref<!tpu.dma_semaphore, #tpu.memory_space<semaphore_mem>>) src(%arg10 : memref<64x64xf32, #tpu.memory_space<vmem>>) dst(%dma_wait3A_105 : memref<64x64xf32, #tpu.memory_space<vmem_shared>>)
      tpu.yield
    }) : () -> ()
    %iota3A = tpu.iota {dimensions = array<i32: 0>} : vector<16xi32>
    %eq3A = arith.constant 0 : i32
    %eq3A_47 = vector.broadcast %eq3A : i32 to vector<16xi32>
    %eq3A_48 = arith.cmpi eq, %iota3A, %eq3A_47 : vector<16xi32>
    %jit3A = arith.constant 1.000000e+00 : f32
    %jit3A_49 = arith.constant 0.000000e+00 : f32
    %broadcast_in_dim3A_50 = vector.broadcast %jit3A : f32 to vector<16xf32>
    %broadcast_in_dim3A_51 = vector.broadcast %jit3A_49 : f32 to vector<16xf32>
    %select_n3A = arith.select %eq3A_48, %broadcast_in_dim3A_50, %broadcast_in_dim3A_51 : vector<16xi1>, vector<16xf32>
    %scan3A_52 = arith.constant 0 : i32
    %scan3A_53 = arith.constant 0 : i32
    %scan3A_54 = arith.constant 128 : i32
    %scan3A_55 = arith.addi %scan3A_53, %scan3A_54 : i32
    %scan3A_56 = arith.constant 1 : i32
    scf.for %scan3A_99 = %scan3A_53 to %scan3A_55 step %scan3A_56  : i32 {
      %swap3A = arith.index_cast %scan3A_99 : i32 to index
      %swap3A_100 = arith.constant 0 : index
      %swap3A_101 = tpu.vector_load %arg13[%swap3A, %swap3A_100] {strides = array<i32>} : memref<128x16xf32, #tpu.memory_space<vmem>>, vector<1x16xf32>,
      %swap3A_102 = vector.shape_cast %swap3A_101 : vector<1x16xf32> to vector<16xf32>
      %swap3A_103 = vector.shape_cast %select_n3A : vector<16xf32> to vector<1x16xf32>
      tpu.vector_store %arg13[%swap3A, %swap3A_100], %swap3A_103 {strides = array<i32>} : memref<128x16xf32, #tpu.memory_space<vmem>>, vector<1x16xf32>,
    }
    %scan3A_57 = arith.constant 128 : i32
    %scan3A_58 = arith.constant 0 : i32
    %scan3A_59 = arith.constant 0 : i32
    %scan3A_60 = arith.constant 640 : i32
    %scan3A_61 = arith.addi %scan3A_59, %scan3A_60 : i32
    %scan3A_62 = arith.constant 1 : i32
    scf.for %scan3A_99 = %scan3A_59 to %scan3A_61 step %scan3A_62  : i32 {
      %swap3A = arith.index_cast %scan3A_99 : i32 to index
      %swap3A_100 = arith.constant 0 : index
      %swap3A_101 = tpu.vector_load %arg14[%swap3A, %swap3A_100] {strides = array<i32>} : memref<640x16xf32, #tpu.memory_space<vmem>>, vector<1x16xf32>,
      %swap3A_102 = vector.shape_cast %swap3A_101 : vector<1x16xf32> to vector<16xf32>
      %swap3A_103 = vector.shape_cast %broadcast_in_dim3A_1 : vector<16xf32> to vector<1x16xf32>
      tpu.vector_store %arg14[%swap3A, %swap3A_100], %swap3A_103 {strides = array<i32>} : memref<640x16xf32, #tpu.memory_space<vmem>>, vector<1x16xf32>,
    }
    %scan3A_63 = arith.constant 640 : i32
    %mul3A_64 = arith.constant 640 : i32
    %mul3A_65 = arith.muli %arg1, %mul3A_64 : i32
    "tpu.region"() ({
      %run_scoped3A = tpu.sem_alloc : memref<!tpu.dma_semaphore, #tpu.memory_space<semaphore_mem>>
      %dma_start3A_99 = arith.constant 0 : i32
      %dma_start3A_100 = tpu.memref_slice %arg15[%mul3A_65, %dma_start3A_99] : memref<10240x16xf32, #tpu.memory_space<vmem_shared>> -> memref<640x16xf32, #tpu.memory_space<vmem_shared>>
      %dma_start3A_101 = arith.constant 0 : i32
      %dma_start3A_102 = tpu.memref_slice %arg15[%mul3A_65, %dma_start3A_101] : memref<10240x16xf32, #tpu.memory_space<vmem_shared>> -> memref<640x16xf32, #tpu.memory_space<vmem_shared>>
      tpu.enqueue_dma source(%arg14 : memref<640x16xf32, #tpu.memory_space<vmem>>) target(%dma_start3A_102 : memref<640x16xf32, #tpu.memory_space<vmem_shared>>) target_semaphore(%run_scoped3A : memref<!tpu.dma_semaphore, #tpu.memory_space<semaphore_mem>>)
      %dma_wait3A = arith.constant 0 : i32
      %dma_wait3A_103 = tpu.memref_slice %arg15[%mul3A_65, %dma_wait3A] : memref<10240x16xf32, #tpu.memory_space<vmem_shared>> -> memref<640x16xf32, #tpu.memory_space<vmem_shared>>
      %dma_wait3A_104 = arith.constant 0 : i32
      %dma_wait3A_105 = tpu.memref_slice %arg15[%mul3A_65, %dma_wait3A_104] : memref<10240x16xf32, #tpu.memory_space<vmem_shared>> -> memref<640x16xf32, #tpu.memory_space<vmem_shared>>
      tpu.wait_dma2 semaphore(%run_scoped3A : memref<!tpu.dma_semaphore, #tpu.memory_space<semaphore_mem>>) src(%arg14 : memref<640x16xf32, #tpu.memory_space<vmem>>) dst(%dma_wait3A_105 : memref<640x16xf32, #tpu.memory_space<vmem_shared>>)
      tpu.yield
    }) : () -> ()
    "tpu.region"() ({
      %run_scoped3A = tpu.sem_alloc : memref<!tpu.dma_semaphore, #tpu.memory_space<semaphore_mem>>
      %dma_start3A_99 = arith.constant 0 : i32
      %dma_start3A_100 = arith.constant 0 : i32
      %dma_start3A_101 = tpu.memref_slice %arg3[%add3A, %dma_start3A_99, %dma_start3A_100] : memref<32x157x128xi32, #tpu.memory_space<hbm>> -> memref<1x157x128xi32, #tpu.memory_space<hbm>>
      %dma_start3A_102 = tpu.memref_squeeze %dma_start3A_101 : memref<1x157x128xi32, #tpu.memory_space<hbm>> -> memref<157x128xi32, #tpu.memory_space<hbm>>
      %dma_start3A_103 = arith.constant 0 : i32
      %dma_start3A_104 = arith.constant 0 : i32
      %dma_start3A_105 = tpu.memref_slice %arg3[%add3A, %dma_start3A_103, %dma_start3A_104] : memref<32x157x128xi32, #tpu.memory_space<hbm>> -> memref<1x157x128xi32, #tpu.memory_space<hbm>>
      %dma_start3A_106 = tpu.memref_squeeze %dma_start3A_105 : memref<1x157x128xi32, #tpu.memory_space<hbm>> -> memref<157x128xi32, #tpu.memory_space<hbm>>
      tpu.enqueue_dma source(%dma_start3A_106 : memref<157x128xi32, #tpu.memory_space<hbm>>) target(%arg7 : memref<157x128xi32, #tpu.memory_space<vmem>>) target_semaphore(%run_scoped3A : memref<!tpu.dma_semaphore, #tpu.memory_space<semaphore_mem>>)
      %dma_wait3A = arith.constant 0 : i32
      %dma_wait3A_107 = arith.constant 0 : i32
      %dma_wait3A_108 = tpu.memref_slice %arg3[%add3A, %dma_wait3A, %dma_wait3A_107] : memref<32x157x128xi32, #tpu.memory_space<hbm>> -> memref<1x157x128xi32, #tpu.memory_space<hbm>>
      %dma_wait3A_109 = tpu.memref_squeeze %dma_wait3A_108 : memref<1x157x128xi32, #tpu.memory_space<hbm>> -> memref<157x128xi32, #tpu.memory_space<hbm>>
      %dma_wait3A_110 = arith.constant 0 : i32
      %dma_wait3A_111 = arith.constant 0 : i32
      %dma_wait3A_112 = tpu.memref_slice %arg3[%add3A, %dma_wait3A_110, %dma_wait3A_111] : memref<32x157x128xi32, #tpu.memory_space<hbm>> -> memref<1x157x128xi32, #tpu.memory_space<hbm>>
      %dma_wait3A_113 = tpu.memref_squeeze %dma_wait3A_112 : memref<1x157x128xi32, #tpu.memory_space<hbm>> -> memref<157x128xi32, #tpu.memory_space<hbm>>
      tpu.wait_dma2 semaphore(%run_scoped3A : memref<!tpu.dma_semaphore, #tpu.memory_space<semaphore_mem>>) src(%dma_wait3A_113 : memref<157x128xi32, #tpu.memory_space<hbm>>) dst(%arg7 : memref<157x128xi32, #tpu.memory_space<vmem>>)
      tpu.yield
    }) : () -> ()
    "tpu.region"() ({
      %run_scoped3A = tpu.sem_alloc : memref<!tpu.dma_semaphore, #tpu.memory_space<semaphore_mem>>
      %dma_start3A_99 = arith.constant 0 : i32
      %dma_start3A_100 = arith.constant 0 : i32
      %dma_start3A_101 = tpu.memref_slice %arg4[%add3A, %dma_start3A_99, %dma_start3A_100] : memref<32x157x128xi32, #tpu.memory_space<hbm>> -> memref<1x157x128xi32, #tpu.memory_space<hbm>>
      %dma_start3A_102 = tpu.memref_squeeze %dma_start3A_101 : memref<1x157x128xi32, #tpu.memory_space<hbm>> -> memref<157x128xi32, #tpu.memory_space<hbm>>
      %dma_start3A_103 = arith.constant 0 : i32
      %dma_start3A_104 = arith.constant 0 : i32
      %dma_start3A_105 = tpu.memref_slice %arg4[%add3A, %dma_start3A_103, %dma_start3A_104] : memref<32x157x128xi32, #tpu.memory_space<hbm>> -> memref<1x157x128xi32, #tpu.memory_space<hbm>>
      %dma_start3A_106 = tpu.memref_squeeze %dma_start3A_105 : memref<1x157x128xi32, #tpu.memory_space<hbm>> -> memref<157x128xi32, #tpu.memory_space<hbm>>
      tpu.enqueue_dma source(%dma_start3A_106 : memref<157x128xi32, #tpu.memory_space<hbm>>) target(%arg8 : memref<157x128xi32, #tpu.memory_space<vmem>>) target_semaphore(%run_scoped3A : memref<!tpu.dma_semaphore, #tpu.memory_space<semaphore_mem>>)
      %dma_wait3A = arith.constant 0 : i32
      %dma_wait3A_107 = arith.constant 0 : i32
      %dma_wait3A_108 = tpu.memref_slice %arg4[%add3A, %dma_wait3A, %dma_wait3A_107] : memref<32x157x128xi32, #tpu.memory_space<hbm>> -> memref<1x157x128xi32, #tpu.memory_space<hbm>>
      %dma_wait3A_109 = tpu.memref_squeeze %dma_wait3A_108 : memref<1x157x128xi32, #tpu.memory_space<hbm>> -> memref<157x128xi32, #tpu.memory_space<hbm>>
      %dma_wait3A_110 = arith.constant 0 : i32
      %dma_wait3A_111 = arith.constant 0 : i32
      %dma_wait3A_112 = tpu.memref_slice %arg4[%add3A, %dma_wait3A_110, %dma_wait3A_111] : memref<32x157x128xi32, #tpu.memory_space<hbm>> -> memref<1x157x128xi32, #tpu.memory_space<hbm>>
      %dma_wait3A_113 = tpu.memref_squeeze %dma_wait3A_112 : memref<1x157x128xi32, #tpu.memory_space<hbm>> -> memref<157x128xi32, #tpu.memory_space<hbm>>
      tpu.wait_dma2 semaphore(%run_scoped3A : memref<!tpu.dma_semaphore, #tpu.memory_space<semaphore_mem>>) src(%dma_wait3A_113 : memref<157x128xi32, #tpu.memory_space<hbm>>) dst(%arg8 : memref<157x128xi32, #tpu.memory_space<vmem>>)
      tpu.yield
    }) : () -> ()
    %barrier3A = arith.constant 0 : index
    tpu.barrier barrier_id(%barrier3A)
    %dma_start3A = arith.constant 0 : i32
    %dma_start3A_66 = arith.constant 0 : i32
    %dma_start3A_67 = arith.constant 0 : i32
    %dma_start3A_68 = arith.constant 0 : i32
    %dma_start3A_69 = arith.constant 0 : i32
    %dma_start3A_70 = tpu.memref_slice %arg9[%dma_start3A_66, %dma_start3A_68, %dma_start3A_69] : memref<2x128x64xf32, #tpu.memory_space<vmem>> -> memref<1x128x64xf32, #tpu.memory_space<vmem>>
    %dma_start3A_71 = tpu.memref_squeeze %dma_start3A_70 : memref<1x128x64xf32, #tpu.memory_space<vmem>> -> memref<128x64xf32, #tpu.memory_space<vmem>>
    %dma_start3A_72 = arith.constant 0 : i32
    %dma_start3A_73 = tpu.memref_slice %arg7[%dma_start3A, %dma_start3A_72] : memref<157x128xi32, #tpu.memory_space<vmem>> -> memref<1x128xi32, #tpu.memory_space<vmem>>
    %dma_start3A_74 = tpu.memref_squeeze %dma_start3A_73 : memref<1x128xi32, #tpu.memory_space<vmem>> -> memref<128xi32, #tpu.memory_space<vmem>>
    %dma_start3A_75 = arith.constant 0 : i32
    %dma_start3A_76 = arith.constant 0 : i32
    %dma_start3A_77 = tpu.memref_slice %arg2[%dma_start3A_75, %dma_start3A_76] : memref<20000x64xf32, #tpu.memory_space<hbm>> -> memref<20000x64xf32, #tpu.memory_space<hbm>>
    %dma_start3A_78 = tpu.memref_slice %arg12[%dma_start3A_67] : memref<2x!tpu.dma_semaphore, #tpu.memory_space<semaphore_mem>> -> memref<1x!tpu.dma_semaphore, #tpu.memory_space<semaphore_mem>>
    %dma_start3A_79 = tpu.memref_squeeze %dma_start3A_78 : memref<1x!tpu.dma_semaphore, #tpu.memory_space<semaphore_mem>> -> memref<!tpu.dma_semaphore, #tpu.memory_space<semaphore_mem>>
    tpu.enqueue_indirect_dma source(%dma_start3A_77 : memref<20000x64xf32, #tpu.memory_space<hbm>>) target(%dma_start3A_71 : memref<128x64xf32, #tpu.memory_space<vmem>>) offsets(%dma_start3A_74 : memref<128xi32, #tpu.memory_space<vmem>>) semaphore(%dma_start3A_79 : memref<!tpu.dma_semaphore, #tpu.memory_space<semaphore_mem>>)
    %scan3A_80 = arith.constant 0 : i32
    %scan3A_81 = arith.constant 0 : i32
    %scan3A_82 = arith.constant 157 : i32
    %scan3A_83 = arith.addi %scan3A_81, %scan3A_82 : i32
    %scan3A_84 = arith.constant 1 : i32
    scf.for %scan3A_99 = %scan3A_81 to %scan3A_83 step %scan3A_84  : i32 {
      %rem3A = arith.constant 2 : i32
      %rem3A_100 = arith.remsi %scan3A_99, %rem3A : i32
      %add3A_101 = arith.constant 1 : i32
      %add3A_102 = arith.addi %scan3A_99, %add3A_101 : i32
      %rem3A_103 = arith.constant 2 : i32
      %rem3A_104 = arith.remsi %add3A_102, %rem3A_103 : i32
      %add3A_105 = arith.constant 1 : i32
      %add3A_106 = arith.addi %scan3A_99, %add3A_105 : i32
      %lt3A = arith.constant 157 : i32
      %lt3A_107 = arith.cmpi slt, %add3A_106, %lt3A : i32
      %convert_element_type3A = arith.extui %lt3A_107 : i1 to i32
      %cond3A = arith.constant 0 : i32
      %cond3A_108 = arith.cmpi ne, %convert_element_type3A, %cond3A : i32
      scf.if %cond3A_108 {
        %add3A_120 = arith.constant 1 : i32
        %add3A_121 = arith.addi %scan3A_99, %add3A_120 : i32
        %dma_start3A_122 = arith.constant 0 : i32
        %dma_start3A_123 = arith.constant 0 : i32
        %dma_start3A_124 = tpu.memref_slice %arg9[%rem3A_104, %dma_start3A_122, %dma_start3A_123] : memref<2x128x64xf32, #tpu.memory_space<vmem>> -> memref<1x128x64xf32, #tpu.memory_space<vmem>>
        %dma_start3A_125 = tpu.memref_squeeze %dma_start3A_124 : memref<1x128x64xf32, #tpu.memory_space<vmem>> -> memref<128x64xf32, #tpu.memory_space<vmem>>
        %dma_start3A_126 = arith.constant 0 : i32
        %dma_start3A_127 = tpu.memref_slice %arg7[%add3A_121, %dma_start3A_126] : memref<157x128xi32, #tpu.memory_space<vmem>> -> memref<1x128xi32, #tpu.memory_space<vmem>>
        %dma_start3A_128 = tpu.memref_squeeze %dma_start3A_127 : memref<1x128xi32, #tpu.memory_space<vmem>> -> memref<128xi32, #tpu.memory_space<vmem>>
        %dma_start3A_129 = arith.constant 0 : i32
        %dma_start3A_130 = arith.constant 0 : i32
        %dma_start3A_131 = tpu.memref_slice %arg2[%dma_start3A_129, %dma_start3A_130] : memref<20000x64xf32, #tpu.memory_space<hbm>> -> memref<20000x64xf32, #tpu.memory_space<hbm>>
        %dma_start3A_132 = tpu.memref_slice %arg12[%rem3A_104] : memref<2x!tpu.dma_semaphore, #tpu.memory_space<semaphore_mem>> -> memref<1x!tpu.dma_semaphore, #tpu.memory_space<semaphore_mem>>
        %dma_start3A_133 = tpu.memref_squeeze %dma_start3A_132 : memref<1x!tpu.dma_semaphore, #tpu.memory_space<semaphore_mem>> -> memref<!tpu.dma_semaphore, #tpu.memory_space<semaphore_mem>>
        tpu.enqueue_indirect_dma source(%dma_start3A_131 : memref<20000x64xf32, #tpu.memory_space<hbm>>) target(%dma_start3A_125 : memref<128x64xf32, #tpu.memory_space<vmem>>) offsets(%dma_start3A_128 : memref<128xi32, #tpu.memory_space<vmem>>) semaphore(%dma_start3A_133 : memref<!tpu.dma_semaphore, #tpu.memory_space<semaphore_mem>>)
      } else {
      }
      %dma_wait3A = arith.constant 0 : i32
      %dma_wait3A_109 = arith.constant 0 : i32
      %dma_wait3A_110 = tpu.memref_slice %arg9[%rem3A_100, %dma_wait3A, %dma_wait3A_109] : memref<2x128x64xf32, #tpu.memory_space<vmem>> -> memref<1x128x64xf32, #tpu.memory_space<vmem>>
      %dma_wait3A_111 = tpu.memref_squeeze %dma_wait3A_110 : memref<1x128x64xf32, #tpu.memory_space<vmem>> -> memref<128x64xf32, #tpu.memory_space<vmem>>
      %dma_wait3A_112 = arith.constant 0 : i32
      %dma_wait3A_113 = tpu.memref_slice %arg7[%scan3A_99, %dma_wait3A_112] : memref<157x128xi32, #tpu.memory_space<vmem>> -> memref<1x128xi32, #tpu.memory_space<vmem>>
      %dma_wait3A_114 = tpu.memref_squeeze %dma_wait3A_113 : memref<1x128xi32, #tpu.memory_space<vmem>> -> memref<128xi32, #tpu.memory_space<vmem>>
      %dma_wait3A_115 = arith.constant 0 : i32
      %dma_wait3A_116 = arith.constant 0 : i32
      %dma_wait3A_117 = tpu.memref_slice %arg2[%dma_wait3A_115, %dma_wait3A_116] : memref<20000x64xf32, #tpu.memory_space<hbm>> -> memref<20000x64xf32, #tpu.memory_space<hbm>>
      %dma_wait3A_118 = tpu.memref_slice %arg12[%rem3A_100] : memref<2x!tpu.dma_semaphore, #tpu.memory_space<semaphore_mem>> -> memref<1x!tpu.dma_semaphore, #tpu.memory_space<semaphore_mem>>
      %dma_wait3A_119 = tpu.memref_squeeze %dma_wait3A_118 : memref<1x!tpu.dma_semaphore, #tpu.memory_space<semaphore_mem>> -> memref<!tpu.dma_semaphore, #tpu.memory_space<semaphore_mem>>
      tpu.wait_indirect_dma semaphore(%dma_wait3A_119 : memref<!tpu.dma_semaphore, #tpu.memory_space<semaphore_mem>>) src(%dma_wait3A_117 : memref<20000x64xf32, #tpu.memory_space<hbm>>) dst(%dma_wait3A_111 : memref<128x64xf32, #tpu.memory_space<vmem>>)
      "tpu.region"() ({
        %run_scoped3A = tpu.sem_alloc : memref<!tpu.dma_semaphore, #tpu.memory_space<semaphore_mem>>
        %dma_start3A_120 = arith.constant 0 : i32
        %dma_start3A_121 = arith.constant 0 : i32
        %dma_start3A_122 = tpu.memref_slice %arg9[%rem3A_100, %dma_start3A_120, %dma_start3A_121] : memref<2x128x64xf32, #tpu.memory_space<vmem>> -> memref<1x128x64xf32, #tpu.memory_space<vmem>>
        %dma_start3A_123 = tpu.memref_squeeze %dma_start3A_122 : memref<1x128x64xf32, #tpu.memory_space<vmem>> -> memref<128x64xf32, #tpu.memory_space<vmem>>
        %dma_start3A_124 = arith.constant 0 : i32
        %dma_start3A_125 = tpu.memref_slice %arg8[%scan3A_99, %dma_start3A_124] : memref<157x128xi32, #tpu.memory_space<vmem>> -> memref<1x128xi32, #tpu.memory_space<vmem>>
        %dma_start3A_126 = tpu.memref_squeeze %dma_start3A_125 : memref<1x128xi32, #tpu.memory_space<vmem>> -> memref<128xi32, #tpu.memory_space<vmem>>
        %dma_start3A_127 = arith.constant 0 : i32
        %dma_start3A_128 = arith.constant 0 : i32
        %dma_start3A_129 = tpu.memref_slice %arg11[%dma_start3A_127, %dma_start3A_128] : memref<10240x64xf32, #tpu.memory_space<vmem_shared>> -> memref<10240x64xf32, #tpu.memory_space<vmem_shared>>
        tpu.enqueue_indirect_dma source(%dma_start3A_123 : memref<128x64xf32, #tpu.memory_space<vmem>>) target(%dma_start3A_129 : memref<10240x64xf32, #tpu.memory_space<vmem_shared>>) offsets(%dma_start3A_126 : memref<128xi32, #tpu.memory_space<vmem>>) semaphore(%run_scoped3A : memref<!tpu.dma_semaphore, #tpu.memory_space<semaphore_mem>>) {add = true}
        %dma_wait3A_130 = arith.constant 0 : i32
        %dma_wait3A_131 = arith.constant 0 : i32
        %dma_wait3A_132 = tpu.memref_slice %arg9[%rem3A_100, %dma_wait3A_130, %dma_wait3A_131] : memref<2x128x64xf32, #tpu.memory_space<vmem>> -> memref<1x128x64xf32, #tpu.memory_space<vmem>>
        %dma_wait3A_133 = tpu.memref_squeeze %dma_wait3A_132 : memref<1x128x64xf32, #tpu.memory_space<vmem>> -> memref<128x64xf32, #tpu.memory_space<vmem>>
        %dma_wait3A_134 = arith.constant 0 : i32
        %dma_wait3A_135 = tpu.memref_slice %arg8[%scan3A_99, %dma_wait3A_134] : memref<157x128xi32, #tpu.memory_space<vmem>> -> memref<1x128xi32, #tpu.memory_space<vmem>>
        %dma_wait3A_136 = tpu.memref_squeeze %dma_wait3A_135 : memref<1x128xi32, #tpu.memory_space<vmem>> -> memref<128xi32, #tpu.memory_space<vmem>>
        %dma_wait3A_137 = arith.constant 0 : i32
        %dma_wait3A_138 = arith.constant 0 : i32
        %dma_wait3A_139 = tpu.memref_slice %arg11[%dma_wait3A_137, %dma_wait3A_138] : memref<10240x64xf32, #tpu.memory_space<vmem_shared>> -> memref<10240x64xf32, #tpu.memory_space<vmem_shared>>
        tpu.wait_indirect_dma semaphore(%run_scoped3A : memref<!tpu.dma_semaphore, #tpu.memory_space<semaphore_mem>>) src(%dma_wait3A_133 : memref<128x64xf32, #tpu.memory_space<vmem>>) dst(%dma_wait3A_139 : memref<10240x64xf32, #tpu.memory_space<vmem_shared>>)
        tpu.yield
      }) : () -> ()
      "tpu.region"() ({
        %run_scoped3A = tpu.sem_alloc : memref<!tpu.dma_semaphore, #tpu.memory_space<semaphore_mem>>
        %dma_start3A_120 = arith.constant 0 : i32
        %dma_start3A_121 = tpu.memref_slice %arg8[%scan3A_99, %dma_start3A_120] : memref<157x128xi32, #tpu.memory_space<vmem>> -> memref<1x128xi32, #tpu.memory_space<vmem>>
        %dma_start3A_122 = tpu.memref_squeeze %dma_start3A_121 : memref<1x128xi32, #tpu.memory_space<vmem>> -> memref<128xi32, #tpu.memory_space<vmem>>
        %dma_start3A_123 = arith.constant 0 : i32
        %dma_start3A_124 = arith.constant 0 : i32
        %dma_start3A_125 = tpu.memref_slice %arg15[%dma_start3A_123, %dma_start3A_124] : memref<10240x16xf32, #tpu.memory_space<vmem_shared>> -> memref<10240x16xf32, #tpu.memory_space<vmem_shared>>
        tpu.enqueue_indirect_dma source(%arg13 : memref<128x16xf32, #tpu.memory_space<vmem>>) target(%dma_start3A_125 : memref<10240x16xf32, #tpu.memory_space<vmem_shared>>) offsets(%dma_start3A_122 : memref<128xi32, #tpu.memory_space<vmem>>) semaphore(%run_scoped3A : memref<!tpu.dma_semaphore, #tpu.memory_space<semaphore_mem>>) {add = true}
        %dma_wait3A_126 = arith.constant 0 : i32
        %dma_wait3A_127 = tpu.memref_slice %arg8[%scan3A_99, %dma_wait3A_126] : memref<157x128xi32, #tpu.memory_space<vmem>> -> memref<1x128xi32, #tpu.memory_space<vmem>>
        %dma_wait3A_128 = tpu.memref_squeeze %dma_wait3A_127 : memref<1x128xi32, #tpu.memory_space<vmem>> -> memref<128xi32, #tpu.memory_space<vmem>>
        %dma_wait3A_129 = arith.constant 0 : i32
        %dma_wait3A_130 = arith.constant 0 : i32
        %dma_wait3A_131 = tpu.memref_slice %arg15[%dma_wait3A_129, %dma_wait3A_130] : memref<10240x16xf32, #tpu.memory_space<vmem_shared>> -> memref<10240x16xf32, #tpu.memory_space<vmem_shared>>
        tpu.wait_indirect_dma semaphore(%run_scoped3A : memref<!tpu.dma_semaphore, #tpu.memory_space<semaphore_mem>>) src(%arg13 : memref<128x16xf32, #tpu.memory_space<vmem>>) dst(%dma_wait3A_131 : memref<10240x16xf32, #tpu.memory_space<vmem_shared>>)
        tpu.yield
      }) : () -> ()
    }
    %scan3A_85 = arith.constant 157 : i32
    %barrier3A_86 = arith.constant 0 : index
    tpu.barrier barrier_id(%barrier3A_86)
    %mul3A_87 = arith.constant 640 : i32
    %mul3A_88 = arith.muli %arg1, %mul3A_87 : i32
    %mul3A_89 = arith.constant 640 : i32
    %mul3A_90 = arith.muli %arg1, %mul3A_89 : i32
    "tpu.region"() ({
      %run_scoped3A = tpu.sem_alloc : memref<!tpu.dma_semaphore, #tpu.memory_space<semaphore_mem>>
      %dma_start3A_99 = arith.constant 0 : i32
      %dma_start3A_100 = tpu.memref_slice %arg5[%arg0, %mul3A_90, %dma_start3A_99] : memref<2x10240x64xf32, #tpu.memory_space<hbm>> -> memref<1x640x64xf32, #tpu.memory_space<hbm>>
      %dma_start3A_101 = tpu.memref_squeeze %dma_start3A_100 : memref<1x640x64xf32, #tpu.memory_space<hbm>> -> memref<640x64xf32, #tpu.memory_space<hbm>>
      %dma_start3A_102 = arith.constant 0 : i32
      %dma_start3A_103 = tpu.memref_slice %arg11[%mul3A_88, %dma_start3A_102] : memref<10240x64xf32, #tpu.memory_space<vmem_shared>> -> memref<640x64xf32, #tpu.memory_space<vmem_shared>>
      tpu.enqueue_dma source(%dma_start3A_103 : memref<640x64xf32, #tpu.memory_space<vmem_shared>>) target(%dma_start3A_101 : memref<640x64xf32, #tpu.memory_space<hbm>>) target_semaphore(%run_scoped3A : memref<!tpu.dma_semaphore, #tpu.memory_space<semaphore_mem>>)
      %dma_wait3A = arith.constant 0 : i32
      %dma_wait3A_104 = tpu.memref_slice %arg5[%arg0, %mul3A_90, %dma_wait3A] : memref<2x10240x64xf32, #tpu.memory_space<hbm>> -> memref<1x640x64xf32, #tpu.memory_space<hbm>>
      %dma_wait3A_105 = tpu.memref_squeeze %dma_wait3A_104 : memref<1x640x64xf32, #tpu.memory_space<hbm>> -> memref<640x64xf32, #tpu.memory_space<hbm>>
      %dma_wait3A_106 = arith.constant 0 : i32
      %dma_wait3A_107 = tpu.memref_slice %arg11[%mul3A_88, %dma_wait3A_106] : memref<10240x64xf32, #tpu.memory_space<vmem_shared>> -> memref<640x64xf32, #tpu.memory_space<vmem_shared>>
      tpu.wait_dma2 semaphore(%run_scoped3A : memref<!tpu.dma_semaphore, #tpu.memory_space<semaphore_mem>>) src(%dma_wait3A_107 : memref<640x64xf32, #tpu.memory_space<vmem_shared>>) dst(%dma_wait3A_105 : memref<640x64xf32, #tpu.memory_space<hbm>>)
      tpu.yield
    }) : () -> ()
    %mul3A_91 = arith.constant 640 : i32
    %mul3A_92 = arith.muli %arg1, %mul3A_91 : i32
    "tpu.region"() ({
      %run_scoped3A = tpu.sem_alloc : memref<!tpu.dma_semaphore, #tpu.memory_space<semaphore_mem>>
      %dma_start3A_99 = arith.constant 0 : i32
      %dma_start3A_100 = tpu.memref_slice %arg15[%mul3A_92, %dma_start3A_99] : memref<10240x16xf32, #tpu.memory_space<vmem_shared>> -> memref<640x16xf32, #tpu.memory_space<vmem_shared>>
      %dma_start3A_101 = arith.constant 0 : i32
      %dma_start3A_102 = tpu.memref_slice %arg15[%mul3A_92, %dma_start3A_101] : memref<10240x16xf32, #tpu.memory_space<vmem_shared>> -> memref<640x16xf32, #tpu.memory_space<vmem_shared>>
      tpu.enqueue_dma source(%dma_start3A_102 : memref<640x16xf32, #tpu.memory_space<vmem_shared>>) target(%arg14 : memref<640x16xf32, #tpu.memory_space<vmem>>) target_semaphore(%run_scoped3A : memref<!tpu.dma_semaphore, #tpu.memory_space<semaphore_mem>>)
      %dma_wait3A = arith.constant 0 : i32
      %dma_wait3A_103 = tpu.memref_slice %arg15[%mul3A_92, %dma_wait3A] : memref<10240x16xf32, #tpu.memory_space<vmem_shared>> -> memref<640x16xf32, #tpu.memory_space<vmem_shared>>
      %dma_wait3A_104 = arith.constant 0 : i32
      %dma_wait3A_105 = tpu.memref_slice %arg15[%mul3A_92, %dma_wait3A_104] : memref<10240x16xf32, #tpu.memory_space<vmem_shared>> -> memref<640x16xf32, #tpu.memory_space<vmem_shared>>
      tpu.wait_dma2 semaphore(%run_scoped3A : memref<!tpu.dma_semaphore, #tpu.memory_space<semaphore_mem>>) src(%dma_wait3A_105 : memref<640x16xf32, #tpu.memory_space<vmem_shared>>) dst(%arg14 : memref<640x16xf32, #tpu.memory_space<vmem>>)
      tpu.yield
    }) : () -> ()
    %scan3A_93 = arith.constant 0 : i32
    %scan3A_94 = arith.constant 0 : i32
    %scan3A_95 = arith.constant 640 : i32
    %scan3A_96 = arith.addi %scan3A_94, %scan3A_95 : i32
    %scan3A_97 = arith.constant 1 : i32
    scf.for %scan3A_99 = %scan3A_94 to %scan3A_96 step %scan3A_97  : i32 {
      %get3A = arith.index_cast %scan3A_99 : i32 to index
      %get3A_100 = arith.constant 0 : index
      %get3A_101 = tpu.vector_load %arg14[%get3A, %get3A_100] {strides = array<i32>} : memref<640x16xf32, #tpu.memory_space<vmem>>, vector<1x16xf32>,
      %get3A_102 = vector.shape_cast %get3A_101 : vector<1x16xf32> to vector<16xf32>
      %max3A = arith.constant 1.000000e+00 : f32
      %max3A_103 = vector.broadcast %max3A : f32 to vector<16xf32>
      %max3A_104 = arith.maximumf %get3A_102, %max3A_103 : vector<16xf32>
      %div3A = arith.constant 1.000000e+00 : f32
      %div3A_105 = vector.broadcast %div3A : f32 to vector<16xf32>
      %div3A_106 = arith.divf %div3A_105, %max3A_104 : vector<16xf32>
      %swap3A = arith.index_cast %scan3A_99 : i32 to index
      %swap3A_107 = arith.constant 0 : index
      %swap3A_108 = tpu.vector_load %arg14[%swap3A, %swap3A_107] {strides = array<i32>} : memref<640x16xf32, #tpu.memory_space<vmem>>, vector<1x16xf32>,
      %swap3A_109 = vector.shape_cast %swap3A_108 : vector<1x16xf32> to vector<16xf32>
      %swap3A_110 = vector.shape_cast %div3A_106 : vector<16xf32> to vector<1x16xf32>
      tpu.vector_store %arg14[%swap3A, %swap3A_107], %swap3A_110 {strides = array<i32>} : memref<640x16xf32, #tpu.memory_space<vmem>>, vector<1x16xf32>,
    }
    %scan3A_98 = arith.constant 640 : i32
    "tpu.region"() ({
      %run_scoped3A = tpu.sem_alloc : memref<!tpu.dma_semaphore, #tpu.memory_space<semaphore_mem>>
      %dma_start3A_99 = arith.constant 0 : i32
      %dma_start3A_100 = arith.constant 0 : i32
      %dma_start3A_101 = tpu.memref_slice %arg6[%arg0, %arg1, %dma_start3A_99, %dma_start3A_100] : memref<2x16x640x16xf32, #tpu.memory_space<hbm>> -> memref<1x1x640x16xf32, #tpu.memory_space<hbm>>
      %dma_start3A_102 = tpu.memref_squeeze %dma_start3A_101 : memref<1x1x640x16xf32, #tpu.memory_space<hbm>> -> memref<640x16xf32, #tpu.memory_space<hbm>>
      %dma_start3A_103 = arith.constant 0 : i32
      %dma_start3A_104 = arith.constant 0 : i32
      %dma_start3A_105 = tpu.memref_slice %arg6[%arg0, %arg1, %dma_start3A_103, %dma_start3A_104] : memref<2x16x640x16xf32, #tpu.memory_space<hbm>> -> memref<1x1x640x16xf32, #tpu.memory_space<hbm>>
      %dma_start3A_106 = tpu.memref_squeeze %dma_start3A_105 : memref<1x1x640x16xf32, #tpu.memory_space<hbm>> -> memref<640x16xf32, #tpu.memory_space<hbm>>
      tpu.enqueue_dma source(%arg14 : memref<640x16xf32, #tpu.memory_space<vmem>>) target(%dma_start3A_106 : memref<640x16xf32, #tpu.memory_space<hbm>>) target_semaphore(%run_scoped3A : memref<!tpu.dma_semaphore, #tpu.memory_space<semaphore_mem>>)
      %dma_wait3A = arith.constant 0 : i32
      %dma_wait3A_107 = arith.constant 0 : i32
      %dma_wait3A_108 = tpu.memref_slice %arg6[%arg0, %arg1, %dma_wait3A, %dma_wait3A_107] : memref<2x16x640x16xf32, #tpu.memory_space<hbm>> -> memref<1x1x640x16xf32, #tpu.memory_space<hbm>>
      %dma_wait3A_109 = tpu.memref_squeeze %dma_wait3A_108 : memref<1x1x640x16xf32, #tpu.memory_space<hbm>> -> memref<640x16xf32, #tpu.memory_space<hbm>>
      %dma_wait3A_110 = arith.constant 0 : i32
      %dma_wait3A_111 = arith.constant 0 : i32
      %dma_wait3A_112 = tpu.memref_slice %arg6[%arg0, %arg1, %dma_wait3A_110, %dma_wait3A_111] : memref<2x16x640x16xf32, #tpu.memory_space<hbm>> -> memref<1x1x640x16xf32, #tpu.memory_space<hbm>>
      %dma_wait3A_113 = tpu.memref_squeeze %dma_wait3A_112 : memref<1x1x640x16xf32, #tpu.memory_space<hbm>> -> memref<640x16xf32, #tpu.memory_space<hbm>>
      tpu.wait_dma2 semaphore(%run_scoped3A : memref<!tpu.dma_semaphore, #tpu.memory_space<semaphore_mem>>) src(%arg14 : memref<640x16xf32, #tpu.memory_space<vmem>>) dst(%dma_wait3A_113 : memref<640x16xf32, #tpu.memory_space<hbm>>)
      tpu.yield
    }) : () -> ()
    return
  }
}

#map = affine_map<(d0, d1) -> (0, 0)>
#map1 = affine_map<(d0, d1) -> (0, 0, 0)>
module attributes {stable_mosaic.version = 14 : i64} {
  func.func @body(%arg0: i32, %arg1: i32, %arg2: memref<20000x64xf32, #tpu.memory_space<hbm>>, %arg3: memref<32x157x128xi32, #tpu.memory_space<hbm>>, %arg4: memref<32x157x128xi32, #tpu.memory_space<hbm>>, %arg5: memref<2x10240x64xf32, #tpu.memory_space<hbm>>, %arg6: memref<157x128xi32, #tpu.memory_space<vmem>>, %arg7: memref<157x128xi32, #tpu.memory_space<vmem>>, %arg8: memref<2x128x64xf32, #tpu.memory_space<vmem>>, %arg9: memref<64x64xf32, #tpu.memory_space<vmem>>, %arg10: memref<10240x64xf32, #tpu.memory_space<vmem_shared>>, %arg11: memref<2x!tpu.dma_semaphore, #tpu.memory_space<semaphore_mem>>) attributes {dimension_semantics = [#tpu.dimension_semantics<core_parallel>, #tpu.dimension_semantics<subcore_parallel>], iteration_bounds = array<i64: 2, 16>, scalar_prefetch = 0 : i64, scratch_operands = 6 : i64, tpu.core_type = #tpu.core_type<sc_vector_subcore>, window_params = [{transform_indices = #map}, {transform_indices = #map1}, {transform_indices = #map1}, {transform_indices = #map1}]} {
    %mul3A = arith.constant 16 : i32
    %mul3A_0 = arith.muli %arg0, %mul3A : i32
    %add3A = arith.addi %mul3A_0, %arg1 : i32
    %broadcast_in_dim3A = arith.constant 0.000000e+00 : f32
    %broadcast_in_dim3A_1 = vector.broadcast %broadcast_in_dim3A : f32 to vector<16xf32>
    %scan3A = arith.constant 0 : i32
    %scan3A_2 = arith.constant 0 : i32
    %scan3A_3 = arith.constant 64 : i32
    %scan3A_4 = arith.addi %scan3A_2, %scan3A_3 : i32
    %scan3A_5 = arith.constant 1 : i32
    scf.for %scan3A_72 = %scan3A_2 to %scan3A_4 step %scan3A_5  : i32 {
      %swap3A = arith.index_cast %scan3A_72 : i32 to index
      %swap3A_73 = arith.constant 0 : index
      %swap3A_74 = tpu.vector_load %arg9[%swap3A, %swap3A_73] {strides = array<i32>} : memref<64x64xf32, #tpu.memory_space<vmem>>, vector<1x16xf32>,
      %swap3A_75 = vector.shape_cast %swap3A_74 : vector<1x16xf32> to vector<16xf32>
      %swap3A_76 = vector.shape_cast %broadcast_in_dim3A_1 : vector<16xf32> to vector<1x16xf32>
      tpu.vector_store %arg9[%swap3A, %swap3A_73], %swap3A_76 {strides = array<i32>} : memref<64x64xf32, #tpu.memory_space<vmem>>, vector<1x16xf32>,
      %swap3A_77 = arith.index_cast %scan3A_72 : i32 to index
      %swap3A_78 = arith.constant 16 : index
      %swap3A_79 = tpu.vector_load %arg9[%swap3A_77, %swap3A_78] {strides = array<i32>} : memref<64x64xf32, #tpu.memory_space<vmem>>, vector<1x16xf32>,
      %swap3A_80 = vector.shape_cast %swap3A_79 : vector<1x16xf32> to vector<16xf32>
      %swap3A_81 = vector.shape_cast %broadcast_in_dim3A_1 : vector<16xf32> to vector<1x16xf32>
      tpu.vector_store %arg9[%swap3A_77, %swap3A_78], %swap3A_81 {strides = array<i32>} : memref<64x64xf32, #tpu.memory_space<vmem>>, vector<1x16xf32>,
      %swap3A_82 = arith.index_cast %scan3A_72 : i32 to index
      %swap3A_83 = arith.constant 32 : index
      %swap3A_84 = tpu.vector_load %arg9[%swap3A_82, %swap3A_83] {strides = array<i32>} : memref<64x64xf32, #tpu.memory_space<vmem>>, vector<1x16xf32>,
      %swap3A_85 = vector.shape_cast %swap3A_84 : vector<1x16xf32> to vector<16xf32>
      %swap3A_86 = vector.shape_cast %broadcast_in_dim3A_1 : vector<16xf32> to vector<1x16xf32>
      tpu.vector_store %arg9[%swap3A_82, %swap3A_83], %swap3A_86 {strides = array<i32>} : memref<64x64xf32, #tpu.memory_space<vmem>>, vector<1x16xf32>,
      %swap3A_87 = arith.index_cast %scan3A_72 : i32 to index
      %swap3A_88 = arith.constant 48 : index
      %swap3A_89 = tpu.vector_load %arg9[%swap3A_87, %swap3A_88] {strides = array<i32>} : memref<64x64xf32, #tpu.memory_space<vmem>>, vector<1x16xf32>,
      %swap3A_90 = vector.shape_cast %swap3A_89 : vector<1x16xf32> to vector<16xf32>
      %swap3A_91 = vector.shape_cast %broadcast_in_dim3A_1 : vector<16xf32> to vector<1x16xf32>
      tpu.vector_store %arg9[%swap3A_87, %swap3A_88], %swap3A_91 {strides = array<i32>} : memref<64x64xf32, #tpu.memory_space<vmem>>, vector<1x16xf32>,
    }
    %scan3A_6 = arith.constant 64 : i32
    %mul3A_7 = arith.constant 640 : i32
    %mul3A_8 = arith.muli %arg1, %mul3A_7 : i32
    %add3A_9 = arith.constant 0 : i32
    %add3A_10 = arith.addi %mul3A_8, %add3A_9 : i32
    "tpu.region"() ({
      %run_scoped3A = tpu.sem_alloc : memref<!tpu.dma_semaphore, #tpu.memory_space<semaphore_mem>>
      %dma_start3A_72 = arith.constant 0 : i32
      %dma_start3A_73 = tpu.memref_slice %arg10[%add3A_10, %dma_start3A_72] : memref<10240x64xf32, #tpu.memory_space<vmem_shared>> -> memref<64x64xf32, #tpu.memory_space<vmem_shared>>
      %dma_start3A_74 = arith.constant 0 : i32
      %dma_start3A_75 = tpu.memref_slice %arg10[%add3A_10, %dma_start3A_74] : memref<10240x64xf32, #tpu.memory_space<vmem_shared>> -> memref<64x64xf32, #tpu.memory_space<vmem_shared>>
      tpu.enqueue_dma source(%arg9 : memref<64x64xf32, #tpu.memory_space<vmem>>) target(%dma_start3A_75 : memref<64x64xf32, #tpu.memory_space<vmem_shared>>) target_semaphore(%run_scoped3A : memref<!tpu.dma_semaphore, #tpu.memory_space<semaphore_mem>>)
      %dma_wait3A = arith.constant 0 : i32
      %dma_wait3A_76 = tpu.memref_slice %arg10[%add3A_10, %dma_wait3A] : memref<10240x64xf32, #tpu.memory_space<vmem_shared>> -> memref<64x64xf32, #tpu.memory_space<vmem_shared>>
      %dma_wait3A_77 = arith.constant 0 : i32
      %dma_wait3A_78 = tpu.memref_slice %arg10[%add3A_10, %dma_wait3A_77] : memref<10240x64xf32, #tpu.memory_space<vmem_shared>> -> memref<64x64xf32, #tpu.memory_space<vmem_shared>>
      tpu.wait_dma2 semaphore(%run_scoped3A : memref<!tpu.dma_semaphore, #tpu.memory_space<semaphore_mem>>) src(%arg9 : memref<64x64xf32, #tpu.memory_space<vmem>>) dst(%dma_wait3A_78 : memref<64x64xf32, #tpu.memory_space<vmem_shared>>)
      tpu.yield
    }) : () -> ()
    %mul3A_11 = arith.constant 640 : i32
    %mul3A_12 = arith.muli %arg1, %mul3A_11 : i32
    %add3A_13 = arith.constant 64 : i32
    %add3A_14 = arith.addi %mul3A_12, %add3A_13 : i32
    "tpu.region"() ({
      %run_scoped3A = tpu.sem_alloc : memref<!tpu.dma_semaphore, #tpu.memory_space<semaphore_mem>>
      %dma_start3A_72 = arith.constant 0 : i32
      %dma_start3A_73 = tpu.memref_slice %arg10[%add3A_14, %dma_start3A_72] : memref<10240x64xf32, #tpu.memory_space<vmem_shared>> -> memref<64x64xf32, #tpu.memory_space<vmem_shared>>
      %dma_start3A_74 = arith.constant 0 : i32
      %dma_start3A_75 = tpu.memref_slice %arg10[%add3A_14, %dma_start3A_74] : memref<10240x64xf32, #tpu.memory_space<vmem_shared>> -> memref<64x64xf32, #tpu.memory_space<vmem_shared>>
      tpu.enqueue_dma source(%arg9 : memref<64x64xf32, #tpu.memory_space<vmem>>) target(%dma_start3A_75 : memref<64x64xf32, #tpu.memory_space<vmem_shared>>) target_semaphore(%run_scoped3A : memref<!tpu.dma_semaphore, #tpu.memory_space<semaphore_mem>>)
      %dma_wait3A = arith.constant 0 : i32
      %dma_wait3A_76 = tpu.memref_slice %arg10[%add3A_14, %dma_wait3A] : memref<10240x64xf32, #tpu.memory_space<vmem_shared>> -> memref<64x64xf32, #tpu.memory_space<vmem_shared>>
      %dma_wait3A_77 = arith.constant 0 : i32
      %dma_wait3A_78 = tpu.memref_slice %arg10[%add3A_14, %dma_wait3A_77] : memref<10240x64xf32, #tpu.memory_space<vmem_shared>> -> memref<64x64xf32, #tpu.memory_space<vmem_shared>>
      tpu.wait_dma2 semaphore(%run_scoped3A : memref<!tpu.dma_semaphore, #tpu.memory_space<semaphore_mem>>) src(%arg9 : memref<64x64xf32, #tpu.memory_space<vmem>>) dst(%dma_wait3A_78 : memref<64x64xf32, #tpu.memory_space<vmem_shared>>)
      tpu.yield
    }) : () -> ()
    %mul3A_15 = arith.constant 640 : i32
    %mul3A_16 = arith.muli %arg1, %mul3A_15 : i32
    %add3A_17 = arith.constant 128 : i32
    %add3A_18 = arith.addi %mul3A_16, %add3A_17 : i32
    "tpu.region"() ({
      %run_scoped3A = tpu.sem_alloc : memref<!tpu.dma_semaphore, #tpu.memory_space<semaphore_mem>>
      %dma_start3A_72 = arith.constant 0 : i32
      %dma_start3A_73 = tpu.memref_slice %arg10[%add3A_18, %dma_start3A_72] : memref<10240x64xf32, #tpu.memory_space<vmem_shared>> -> memref<64x64xf32, #tpu.memory_space<vmem_shared>>
      %dma_start3A_74 = arith.constant 0 : i32
      %dma_start3A_75 = tpu.memref_slice %arg10[%add3A_18, %dma_start3A_74] : memref<10240x64xf32, #tpu.memory_space<vmem_shared>> -> memref<64x64xf32, #tpu.memory_space<vmem_shared>>
      tpu.enqueue_dma source(%arg9 : memref<64x64xf32, #tpu.memory_space<vmem>>) target(%dma_start3A_75 : memref<64x64xf32, #tpu.memory_space<vmem_shared>>) target_semaphore(%run_scoped3A : memref<!tpu.dma_semaphore, #tpu.memory_space<semaphore_mem>>)
      %dma_wait3A = arith.constant 0 : i32
      %dma_wait3A_76 = tpu.memref_slice %arg10[%add3A_18, %dma_wait3A] : memref<10240x64xf32, #tpu.memory_space<vmem_shared>> -> memref<64x64xf32, #tpu.memory_space<vmem_shared>>
      %dma_wait3A_77 = arith.constant 0 : i32
      %dma_wait3A_78 = tpu.memref_slice %arg10[%add3A_18, %dma_wait3A_77] : memref<10240x64xf32, #tpu.memory_space<vmem_shared>> -> memref<64x64xf32, #tpu.memory_space<vmem_shared>>
      tpu.wait_dma2 semaphore(%run_scoped3A : memref<!tpu.dma_semaphore, #tpu.memory_space<semaphore_mem>>) src(%arg9 : memref<64x64xf32, #tpu.memory_space<vmem>>) dst(%dma_wait3A_78 : memref<64x64xf32, #tpu.memory_space<vmem_shared>>)
      tpu.yield
    }) : () -> ()
    %mul3A_19 = arith.constant 640 : i32
    %mul3A_20 = arith.muli %arg1, %mul3A_19 : i32
    %add3A_21 = arith.constant 192 : i32
    %add3A_22 = arith.addi %mul3A_20, %add3A_21 : i32
    "tpu.region"() ({
      %run_scoped3A = tpu.sem_alloc : memref<!tpu.dma_semaphore, #tpu.memory_space<semaphore_mem>>
      %dma_start3A_72 = arith.constant 0 : i32
      %dma_start3A_73 = tpu.memref_slice %arg10[%add3A_22, %dma_start3A_72] : memref<10240x64xf32, #tpu.memory_space<vmem_shared>> -> memref<64x64xf32, #tpu.memory_space<vmem_shared>>
      %dma_start3A_74 = arith.constant 0 : i32
      %dma_start3A_75 = tpu.memref_slice %arg10[%add3A_22, %dma_start3A_74] : memref<10240x64xf32, #tpu.memory_space<vmem_shared>> -> memref<64x64xf32, #tpu.memory_space<vmem_shared>>
      tpu.enqueue_dma source(%arg9 : memref<64x64xf32, #tpu.memory_space<vmem>>) target(%dma_start3A_75 : memref<64x64xf32, #tpu.memory_space<vmem_shared>>) target_semaphore(%run_scoped3A : memref<!tpu.dma_semaphore, #tpu.memory_space<semaphore_mem>>)
      %dma_wait3A = arith.constant 0 : i32
      %dma_wait3A_76 = tpu.memref_slice %arg10[%add3A_22, %dma_wait3A] : memref<10240x64xf32, #tpu.memory_space<vmem_shared>> -> memref<64x64xf32, #tpu.memory_space<vmem_shared>>
      %dma_wait3A_77 = arith.constant 0 : i32
      %dma_wait3A_78 = tpu.memref_slice %arg10[%add3A_22, %dma_wait3A_77] : memref<10240x64xf32, #tpu.memory_space<vmem_shared>> -> memref<64x64xf32, #tpu.memory_space<vmem_shared>>
      tpu.wait_dma2 semaphore(%run_scoped3A : memref<!tpu.dma_semaphore, #tpu.memory_space<semaphore_mem>>) src(%arg9 : memref<64x64xf32, #tpu.memory_space<vmem>>) dst(%dma_wait3A_78 : memref<64x64xf32, #tpu.memory_space<vmem_shared>>)
      tpu.yield
    }) : () -> ()
    %mul3A_23 = arith.constant 640 : i32
    %mul3A_24 = arith.muli %arg1, %mul3A_23 : i32
    %add3A_25 = arith.constant 256 : i32
    %add3A_26 = arith.addi %mul3A_24, %add3A_25 : i32
    "tpu.region"() ({
      %run_scoped3A = tpu.sem_alloc : memref<!tpu.dma_semaphore, #tpu.memory_space<semaphore_mem>>
      %dma_start3A_72 = arith.constant 0 : i32
      %dma_start3A_73 = tpu.memref_slice %arg10[%add3A_26, %dma_start3A_72] : memref<10240x64xf32, #tpu.memory_space<vmem_shared>> -> memref<64x64xf32, #tpu.memory_space<vmem_shared>>
      %dma_start3A_74 = arith.constant 0 : i32
      %dma_start3A_75 = tpu.memref_slice %arg10[%add3A_26, %dma_start3A_74] : memref<10240x64xf32, #tpu.memory_space<vmem_shared>> -> memref<64x64xf32, #tpu.memory_space<vmem_shared>>
      tpu.enqueue_dma source(%arg9 : memref<64x64xf32, #tpu.memory_space<vmem>>) target(%dma_start3A_75 : memref<64x64xf32, #tpu.memory_space<vmem_shared>>) target_semaphore(%run_scoped3A : memref<!tpu.dma_semaphore, #tpu.memory_space<semaphore_mem>>)
      %dma_wait3A = arith.constant 0 : i32
      %dma_wait3A_76 = tpu.memref_slice %arg10[%add3A_26, %dma_wait3A] : memref<10240x64xf32, #tpu.memory_space<vmem_shared>> -> memref<64x64xf32, #tpu.memory_space<vmem_shared>>
      %dma_wait3A_77 = arith.constant 0 : i32
      %dma_wait3A_78 = tpu.memref_slice %arg10[%add3A_26, %dma_wait3A_77] : memref<10240x64xf32, #tpu.memory_space<vmem_shared>> -> memref<64x64xf32, #tpu.memory_space<vmem_shared>>
      tpu.wait_dma2 semaphore(%run_scoped3A : memref<!tpu.dma_semaphore, #tpu.memory_space<semaphore_mem>>) src(%arg9 : memref<64x64xf32, #tpu.memory_space<vmem>>) dst(%dma_wait3A_78 : memref<64x64xf32, #tpu.memory_space<vmem_shared>>)
      tpu.yield
    }) : () -> ()
    %mul3A_27 = arith.constant 640 : i32
    %mul3A_28 = arith.muli %arg1, %mul3A_27 : i32
    %add3A_29 = arith.constant 320 : i32
    %add3A_30 = arith.addi %mul3A_28, %add3A_29 : i32
    "tpu.region"() ({
      %run_scoped3A = tpu.sem_alloc : memref<!tpu.dma_semaphore, #tpu.memory_space<semaphore_mem>>
      %dma_start3A_72 = arith.constant 0 : i32
      %dma_start3A_73 = tpu.memref_slice %arg10[%add3A_30, %dma_start3A_72] : memref<10240x64xf32, #tpu.memory_space<vmem_shared>> -> memref<64x64xf32, #tpu.memory_space<vmem_shared>>
      %dma_start3A_74 = arith.constant 0 : i32
      %dma_start3A_75 = tpu.memref_slice %arg10[%add3A_30, %dma_start3A_74] : memref<10240x64xf32, #tpu.memory_space<vmem_shared>> -> memref<64x64xf32, #tpu.memory_space<vmem_shared>>
      tpu.enqueue_dma source(%arg9 : memref<64x64xf32, #tpu.memory_space<vmem>>) target(%dma_start3A_75 : memref<64x64xf32, #tpu.memory_space<vmem_shared>>) target_semaphore(%run_scoped3A : memref<!tpu.dma_semaphore, #tpu.memory_space<semaphore_mem>>)
      %dma_wait3A = arith.constant 0 : i32
      %dma_wait3A_76 = tpu.memref_slice %arg10[%add3A_30, %dma_wait3A] : memref<10240x64xf32, #tpu.memory_space<vmem_shared>> -> memref<64x64xf32, #tpu.memory_space<vmem_shared>>
      %dma_wait3A_77 = arith.constant 0 : i32
      %dma_wait3A_78 = tpu.memref_slice %arg10[%add3A_30, %dma_wait3A_77] : memref<10240x64xf32, #tpu.memory_space<vmem_shared>> -> memref<64x64xf32, #tpu.memory_space<vmem_shared>>
      tpu.wait_dma2 semaphore(%run_scoped3A : memref<!tpu.dma_semaphore, #tpu.memory_space<semaphore_mem>>) src(%arg9 : memref<64x64xf32, #tpu.memory_space<vmem>>) dst(%dma_wait3A_78 : memref<64x64xf32, #tpu.memory_space<vmem_shared>>)
      tpu.yield
    }) : () -> ()
    %mul3A_31 = arith.constant 640 : i32
    %mul3A_32 = arith.muli %arg1, %mul3A_31 : i32
    %add3A_33 = arith.constant 384 : i32
    %add3A_34 = arith.addi %mul3A_32, %add3A_33 : i32
    "tpu.region"() ({
      %run_scoped3A = tpu.sem_alloc : memref<!tpu.dma_semaphore, #tpu.memory_space<semaphore_mem>>
      %dma_start3A_72 = arith.constant 0 : i32
      %dma_start3A_73 = tpu.memref_slice %arg10[%add3A_34, %dma_start3A_72] : memref<10240x64xf32, #tpu.memory_space<vmem_shared>> -> memref<64x64xf32, #tpu.memory_space<vmem_shared>>
      %dma_start3A_74 = arith.constant 0 : i32
      %dma_start3A_75 = tpu.memref_slice %arg10[%add3A_34, %dma_start3A_74] : memref<10240x64xf32, #tpu.memory_space<vmem_shared>> -> memref<64x64xf32, #tpu.memory_space<vmem_shared>>
      tpu.enqueue_dma source(%arg9 : memref<64x64xf32, #tpu.memory_space<vmem>>) target(%dma_start3A_75 : memref<64x64xf32, #tpu.memory_space<vmem_shared>>) target_semaphore(%run_scoped3A : memref<!tpu.dma_semaphore, #tpu.memory_space<semaphore_mem>>)
      %dma_wait3A = arith.constant 0 : i32
      %dma_wait3A_76 = tpu.memref_slice %arg10[%add3A_34, %dma_wait3A] : memref<10240x64xf32, #tpu.memory_space<vmem_shared>> -> memref<64x64xf32, #tpu.memory_space<vmem_shared>>
      %dma_wait3A_77 = arith.constant 0 : i32
      %dma_wait3A_78 = tpu.memref_slice %arg10[%add3A_34, %dma_wait3A_77] : memref<10240x64xf32, #tpu.memory_space<vmem_shared>> -> memref<64x64xf32, #tpu.memory_space<vmem_shared>>
      tpu.wait_dma2 semaphore(%run_scoped3A : memref<!tpu.dma_semaphore, #tpu.memory_space<semaphore_mem>>) src(%arg9 : memref<64x64xf32, #tpu.memory_space<vmem>>) dst(%dma_wait3A_78 : memref<64x64xf32, #tpu.memory_space<vmem_shared>>)
      tpu.yield
    }) : () -> ()
    %mul3A_35 = arith.constant 640 : i32
    %mul3A_36 = arith.muli %arg1, %mul3A_35 : i32
    %add3A_37 = arith.constant 448 : i32
    %add3A_38 = arith.addi %mul3A_36, %add3A_37 : i32
    "tpu.region"() ({
      %run_scoped3A = tpu.sem_alloc : memref<!tpu.dma_semaphore, #tpu.memory_space<semaphore_mem>>
      %dma_start3A_72 = arith.constant 0 : i32
      %dma_start3A_73 = tpu.memref_slice %arg10[%add3A_38, %dma_start3A_72] : memref<10240x64xf32, #tpu.memory_space<vmem_shared>> -> memref<64x64xf32, #tpu.memory_space<vmem_shared>>
      %dma_start3A_74 = arith.constant 0 : i32
      %dma_start3A_75 = tpu.memref_slice %arg10[%add3A_38, %dma_start3A_74] : memref<10240x64xf32, #tpu.memory_space<vmem_shared>> -> memref<64x64xf32, #tpu.memory_space<vmem_shared>>
      tpu.enqueue_dma source(%arg9 : memref<64x64xf32, #tpu.memory_space<vmem>>) target(%dma_start3A_75 : memref<64x64xf32, #tpu.memory_space<vmem_shared>>) target_semaphore(%run_scoped3A : memref<!tpu.dma_semaphore, #tpu.memory_space<semaphore_mem>>)
      %dma_wait3A = arith.constant 0 : i32
      %dma_wait3A_76 = tpu.memref_slice %arg10[%add3A_38, %dma_wait3A] : memref<10240x64xf32, #tpu.memory_space<vmem_shared>> -> memref<64x64xf32, #tpu.memory_space<vmem_shared>>
      %dma_wait3A_77 = arith.constant 0 : i32
      %dma_wait3A_78 = tpu.memref_slice %arg10[%add3A_38, %dma_wait3A_77] : memref<10240x64xf32, #tpu.memory_space<vmem_shared>> -> memref<64x64xf32, #tpu.memory_space<vmem_shared>>
      tpu.wait_dma2 semaphore(%run_scoped3A : memref<!tpu.dma_semaphore, #tpu.memory_space<semaphore_mem>>) src(%arg9 : memref<64x64xf32, #tpu.memory_space<vmem>>) dst(%dma_wait3A_78 : memref<64x64xf32, #tpu.memory_space<vmem_shared>>)
      tpu.yield
    }) : () -> ()
    %mul3A_39 = arith.constant 640 : i32
    %mul3A_40 = arith.muli %arg1, %mul3A_39 : i32
    %add3A_41 = arith.constant 512 : i32
    %add3A_42 = arith.addi %mul3A_40, %add3A_41 : i32
    "tpu.region"() ({
      %run_scoped3A = tpu.sem_alloc : memref<!tpu.dma_semaphore, #tpu.memory_space<semaphore_mem>>
      %dma_start3A_72 = arith.constant 0 : i32
      %dma_start3A_73 = tpu.memref_slice %arg10[%add3A_42, %dma_start3A_72] : memref<10240x64xf32, #tpu.memory_space<vmem_shared>> -> memref<64x64xf32, #tpu.memory_space<vmem_shared>>
      %dma_start3A_74 = arith.constant 0 : i32
      %dma_start3A_75 = tpu.memref_slice %arg10[%add3A_42, %dma_start3A_74] : memref<10240x64xf32, #tpu.memory_space<vmem_shared>> -> memref<64x64xf32, #tpu.memory_space<vmem_shared>>
      tpu.enqueue_dma source(%arg9 : memref<64x64xf32, #tpu.memory_space<vmem>>) target(%dma_start3A_75 : memref<64x64xf32, #tpu.memory_space<vmem_shared>>) target_semaphore(%run_scoped3A : memref<!tpu.dma_semaphore, #tpu.memory_space<semaphore_mem>>)
      %dma_wait3A = arith.constant 0 : i32
      %dma_wait3A_76 = tpu.memref_slice %arg10[%add3A_42, %dma_wait3A] : memref<10240x64xf32, #tpu.memory_space<vmem_shared>> -> memref<64x64xf32, #tpu.memory_space<vmem_shared>>
      %dma_wait3A_77 = arith.constant 0 : i32
      %dma_wait3A_78 = tpu.memref_slice %arg10[%add3A_42, %dma_wait3A_77] : memref<10240x64xf32, #tpu.memory_space<vmem_shared>> -> memref<64x64xf32, #tpu.memory_space<vmem_shared>>
      tpu.wait_dma2 semaphore(%run_scoped3A : memref<!tpu.dma_semaphore, #tpu.memory_space<semaphore_mem>>) src(%arg9 : memref<64x64xf32, #tpu.memory_space<vmem>>) dst(%dma_wait3A_78 : memref<64x64xf32, #tpu.memory_space<vmem_shared>>)
      tpu.yield
    }) : () -> ()
    %mul3A_43 = arith.constant 640 : i32
    %mul3A_44 = arith.muli %arg1, %mul3A_43 : i32
    %add3A_45 = arith.constant 576 : i32
    %add3A_46 = arith.addi %mul3A_44, %add3A_45 : i32
    "tpu.region"() ({
      %run_scoped3A = tpu.sem_alloc : memref<!tpu.dma_semaphore, #tpu.memory_space<semaphore_mem>>
      %dma_start3A_72 = arith.constant 0 : i32
      %dma_start3A_73 = tpu.memref_slice %arg10[%add3A_46, %dma_start3A_72] : memref<10240x64xf32, #tpu.memory_space<vmem_shared>> -> memref<64x64xf32, #tpu.memory_space<vmem_shared>>
      %dma_start3A_74 = arith.constant 0 : i32
      %dma_start3A_75 = tpu.memref_slice %arg10[%add3A_46, %dma_start3A_74] : memref<10240x64xf32, #tpu.memory_space<vmem_shared>> -> memref<64x64xf32, #tpu.memory_space<vmem_shared>>
      tpu.enqueue_dma source(%arg9 : memref<64x64xf32, #tpu.memory_space<vmem>>) target(%dma_start3A_75 : memref<64x64xf32, #tpu.memory_space<vmem_shared>>) target_semaphore(%run_scoped3A : memref<!tpu.dma_semaphore, #tpu.memory_space<semaphore_mem>>)
      %dma_wait3A = arith.constant 0 : i32
      %dma_wait3A_76 = tpu.memref_slice %arg10[%add3A_46, %dma_wait3A] : memref<10240x64xf32, #tpu.memory_space<vmem_shared>> -> memref<64x64xf32, #tpu.memory_space<vmem_shared>>
      %dma_wait3A_77 = arith.constant 0 : i32
      %dma_wait3A_78 = tpu.memref_slice %arg10[%add3A_46, %dma_wait3A_77] : memref<10240x64xf32, #tpu.memory_space<vmem_shared>> -> memref<64x64xf32, #tpu.memory_space<vmem_shared>>
      tpu.wait_dma2 semaphore(%run_scoped3A : memref<!tpu.dma_semaphore, #tpu.memory_space<semaphore_mem>>) src(%arg9 : memref<64x64xf32, #tpu.memory_space<vmem>>) dst(%dma_wait3A_78 : memref<64x64xf32, #tpu.memory_space<vmem_shared>>)
      tpu.yield
    }) : () -> ()
    "tpu.region"() ({
      %run_scoped3A = tpu.sem_alloc : memref<!tpu.dma_semaphore, #tpu.memory_space<semaphore_mem>>
      %dma_start3A_72 = arith.constant 0 : i32
      %dma_start3A_73 = arith.constant 0 : i32
      %dma_start3A_74 = tpu.memref_slice %arg3[%add3A, %dma_start3A_72, %dma_start3A_73] : memref<32x157x128xi32, #tpu.memory_space<hbm>> -> memref<1x157x128xi32, #tpu.memory_space<hbm>>
      %dma_start3A_75 = tpu.memref_squeeze %dma_start3A_74 : memref<1x157x128xi32, #tpu.memory_space<hbm>> -> memref<157x128xi32, #tpu.memory_space<hbm>>
      %dma_start3A_76 = arith.constant 0 : i32
      %dma_start3A_77 = arith.constant 0 : i32
      %dma_start3A_78 = tpu.memref_slice %arg3[%add3A, %dma_start3A_76, %dma_start3A_77] : memref<32x157x128xi32, #tpu.memory_space<hbm>> -> memref<1x157x128xi32, #tpu.memory_space<hbm>>
      %dma_start3A_79 = tpu.memref_squeeze %dma_start3A_78 : memref<1x157x128xi32, #tpu.memory_space<hbm>> -> memref<157x128xi32, #tpu.memory_space<hbm>>
      tpu.enqueue_dma source(%dma_start3A_79 : memref<157x128xi32, #tpu.memory_space<hbm>>) target(%arg6 : memref<157x128xi32, #tpu.memory_space<vmem>>) target_semaphore(%run_scoped3A : memref<!tpu.dma_semaphore, #tpu.memory_space<semaphore_mem>>)
      %dma_wait3A = arith.constant 0 : i32
      %dma_wait3A_80 = arith.constant 0 : i32
      %dma_wait3A_81 = tpu.memref_slice %arg3[%add3A, %dma_wait3A, %dma_wait3A_80] : memref<32x157x128xi32, #tpu.memory_space<hbm>> -> memref<1x157x128xi32, #tpu.memory_space<hbm>>
      %dma_wait3A_82 = tpu.memref_squeeze %dma_wait3A_81 : memref<1x157x128xi32, #tpu.memory_space<hbm>> -> memref<157x128xi32, #tpu.memory_space<hbm>>
      %dma_wait3A_83 = arith.constant 0 : i32
      %dma_wait3A_84 = arith.constant 0 : i32
      %dma_wait3A_85 = tpu.memref_slice %arg3[%add3A, %dma_wait3A_83, %dma_wait3A_84] : memref<32x157x128xi32, #tpu.memory_space<hbm>> -> memref<1x157x128xi32, #tpu.memory_space<hbm>>
      %dma_wait3A_86 = tpu.memref_squeeze %dma_wait3A_85 : memref<1x157x128xi32, #tpu.memory_space<hbm>> -> memref<157x128xi32, #tpu.memory_space<hbm>>
      tpu.wait_dma2 semaphore(%run_scoped3A : memref<!tpu.dma_semaphore, #tpu.memory_space<semaphore_mem>>) src(%dma_wait3A_86 : memref<157x128xi32, #tpu.memory_space<hbm>>) dst(%arg6 : memref<157x128xi32, #tpu.memory_space<vmem>>)
      tpu.yield
    }) : () -> ()
    "tpu.region"() ({
      %run_scoped3A = tpu.sem_alloc : memref<!tpu.dma_semaphore, #tpu.memory_space<semaphore_mem>>
      %dma_start3A_72 = arith.constant 0 : i32
      %dma_start3A_73 = arith.constant 0 : i32
      %dma_start3A_74 = tpu.memref_slice %arg4[%add3A, %dma_start3A_72, %dma_start3A_73] : memref<32x157x128xi32, #tpu.memory_space<hbm>> -> memref<1x157x128xi32, #tpu.memory_space<hbm>>
      %dma_start3A_75 = tpu.memref_squeeze %dma_start3A_74 : memref<1x157x128xi32, #tpu.memory_space<hbm>> -> memref<157x128xi32, #tpu.memory_space<hbm>>
      %dma_start3A_76 = arith.constant 0 : i32
      %dma_start3A_77 = arith.constant 0 : i32
      %dma_start3A_78 = tpu.memref_slice %arg4[%add3A, %dma_start3A_76, %dma_start3A_77] : memref<32x157x128xi32, #tpu.memory_space<hbm>> -> memref<1x157x128xi32, #tpu.memory_space<hbm>>
      %dma_start3A_79 = tpu.memref_squeeze %dma_start3A_78 : memref<1x157x128xi32, #tpu.memory_space<hbm>> -> memref<157x128xi32, #tpu.memory_space<hbm>>
      tpu.enqueue_dma source(%dma_start3A_79 : memref<157x128xi32, #tpu.memory_space<hbm>>) target(%arg7 : memref<157x128xi32, #tpu.memory_space<vmem>>) target_semaphore(%run_scoped3A : memref<!tpu.dma_semaphore, #tpu.memory_space<semaphore_mem>>)
      %dma_wait3A = arith.constant 0 : i32
      %dma_wait3A_80 = arith.constant 0 : i32
      %dma_wait3A_81 = tpu.memref_slice %arg4[%add3A, %dma_wait3A, %dma_wait3A_80] : memref<32x157x128xi32, #tpu.memory_space<hbm>> -> memref<1x157x128xi32, #tpu.memory_space<hbm>>
      %dma_wait3A_82 = tpu.memref_squeeze %dma_wait3A_81 : memref<1x157x128xi32, #tpu.memory_space<hbm>> -> memref<157x128xi32, #tpu.memory_space<hbm>>
      %dma_wait3A_83 = arith.constant 0 : i32
      %dma_wait3A_84 = arith.constant 0 : i32
      %dma_wait3A_85 = tpu.memref_slice %arg4[%add3A, %dma_wait3A_83, %dma_wait3A_84] : memref<32x157x128xi32, #tpu.memory_space<hbm>> -> memref<1x157x128xi32, #tpu.memory_space<hbm>>
      %dma_wait3A_86 = tpu.memref_squeeze %dma_wait3A_85 : memref<1x157x128xi32, #tpu.memory_space<hbm>> -> memref<157x128xi32, #tpu.memory_space<hbm>>
      tpu.wait_dma2 semaphore(%run_scoped3A : memref<!tpu.dma_semaphore, #tpu.memory_space<semaphore_mem>>) src(%dma_wait3A_86 : memref<157x128xi32, #tpu.memory_space<hbm>>) dst(%arg7 : memref<157x128xi32, #tpu.memory_space<vmem>>)
      tpu.yield
    }) : () -> ()
    %barrier3A = arith.constant 0 : index
    tpu.barrier barrier_id(%barrier3A)
    %dma_start3A = arith.constant 0 : i32
    %dma_start3A_47 = arith.constant 0 : i32
    %dma_start3A_48 = arith.constant 0 : i32
    %dma_start3A_49 = arith.constant 0 : i32
    %dma_start3A_50 = arith.constant 0 : i32
    %dma_start3A_51 = tpu.memref_slice %arg8[%dma_start3A_47, %dma_start3A_49, %dma_start3A_50] : memref<2x128x64xf32, #tpu.memory_space<vmem>> -> memref<1x128x64xf32, #tpu.memory_space<vmem>>
    %dma_start3A_52 = tpu.memref_squeeze %dma_start3A_51 : memref<1x128x64xf32, #tpu.memory_space<vmem>> -> memref<128x64xf32, #tpu.memory_space<vmem>>
    %dma_start3A_53 = arith.constant 0 : i32
    %dma_start3A_54 = tpu.memref_slice %arg6[%dma_start3A, %dma_start3A_53] : memref<157x128xi32, #tpu.memory_space<vmem>> -> memref<1x128xi32, #tpu.memory_space<vmem>>
    %dma_start3A_55 = tpu.memref_squeeze %dma_start3A_54 : memref<1x128xi32, #tpu.memory_space<vmem>> -> memref<128xi32, #tpu.memory_space<vmem>>
    %dma_start3A_56 = arith.constant 0 : i32
    %dma_start3A_57 = arith.constant 0 : i32
    %dma_start3A_58 = tpu.memref_slice %arg2[%dma_start3A_56, %dma_start3A_57] : memref<20000x64xf32, #tpu.memory_space<hbm>> -> memref<20000x64xf32, #tpu.memory_space<hbm>>
    %dma_start3A_59 = tpu.memref_slice %arg11[%dma_start3A_48] : memref<2x!tpu.dma_semaphore, #tpu.memory_space<semaphore_mem>> -> memref<1x!tpu.dma_semaphore, #tpu.memory_space<semaphore_mem>>
    %dma_start3A_60 = tpu.memref_squeeze %dma_start3A_59 : memref<1x!tpu.dma_semaphore, #tpu.memory_space<semaphore_mem>> -> memref<!tpu.dma_semaphore, #tpu.memory_space<semaphore_mem>>
    tpu.enqueue_indirect_dma source(%dma_start3A_58 : memref<20000x64xf32, #tpu.memory_space<hbm>>) target(%dma_start3A_52 : memref<128x64xf32, #tpu.memory_space<vmem>>) offsets(%dma_start3A_55 : memref<128xi32, #tpu.memory_space<vmem>>) semaphore(%dma_start3A_60 : memref<!tpu.dma_semaphore, #tpu.memory_space<semaphore_mem>>)
    %scan3A_61 = arith.constant 0 : i32
    %scan3A_62 = arith.constant 0 : i32
    %scan3A_63 = arith.constant 157 : i32
    %scan3A_64 = arith.addi %scan3A_62, %scan3A_63 : i32
    %scan3A_65 = arith.constant 1 : i32
    scf.for %scan3A_72 = %scan3A_62 to %scan3A_64 step %scan3A_65  : i32 {
      %rem3A = arith.constant 2 : i32
      %rem3A_73 = arith.remsi %scan3A_72, %rem3A : i32
      %add3A_74 = arith.constant 1 : i32
      %add3A_75 = arith.addi %scan3A_72, %add3A_74 : i32
      %rem3A_76 = arith.constant 2 : i32
      %rem3A_77 = arith.remsi %add3A_75, %rem3A_76 : i32
      %add3A_78 = arith.constant 1 : i32
      %add3A_79 = arith.addi %scan3A_72, %add3A_78 : i32
      %lt3A = arith.constant 157 : i32
      %lt3A_80 = arith.cmpi slt, %add3A_79, %lt3A : i32
      %convert_element_type3A = arith.extui %lt3A_80 : i1 to i32
      %cond3A = arith.constant 0 : i32
      %cond3A_81 = arith.cmpi ne, %convert_element_type3A, %cond3A : i32
      scf.if %cond3A_81 {
        %add3A_93 = arith.constant 1 : i32
        %add3A_94 = arith.addi %scan3A_72, %add3A_93 : i32
        %dma_start3A_95 = arith.constant 0 : i32
        %dma_start3A_96 = arith.constant 0 : i32
        %dma_start3A_97 = tpu.memref_slice %arg8[%rem3A_77, %dma_start3A_95, %dma_start3A_96] : memref<2x128x64xf32, #tpu.memory_space<vmem>> -> memref<1x128x64xf32, #tpu.memory_space<vmem>>
        %dma_start3A_98 = tpu.memref_squeeze %dma_start3A_97 : memref<1x128x64xf32, #tpu.memory_space<vmem>> -> memref<128x64xf32, #tpu.memory_space<vmem>>
        %dma_start3A_99 = arith.constant 0 : i32
        %dma_start3A_100 = tpu.memref_slice %arg6[%add3A_94, %dma_start3A_99] : memref<157x128xi32, #tpu.memory_space<vmem>> -> memref<1x128xi32, #tpu.memory_space<vmem>>
        %dma_start3A_101 = tpu.memref_squeeze %dma_start3A_100 : memref<1x128xi32, #tpu.memory_space<vmem>> -> memref<128xi32, #tpu.memory_space<vmem>>
        %dma_start3A_102 = arith.constant 0 : i32
        %dma_start3A_103 = arith.constant 0 : i32
        %dma_start3A_104 = tpu.memref_slice %arg2[%dma_start3A_102, %dma_start3A_103] : memref<20000x64xf32, #tpu.memory_space<hbm>> -> memref<20000x64xf32, #tpu.memory_space<hbm>>
        %dma_start3A_105 = tpu.memref_slice %arg11[%rem3A_77] : memref<2x!tpu.dma_semaphore, #tpu.memory_space<semaphore_mem>> -> memref<1x!tpu.dma_semaphore, #tpu.memory_space<semaphore_mem>>
        %dma_start3A_106 = tpu.memref_squeeze %dma_start3A_105 : memref<1x!tpu.dma_semaphore, #tpu.memory_space<semaphore_mem>> -> memref<!tpu.dma_semaphore, #tpu.memory_space<semaphore_mem>>
        tpu.enqueue_indirect_dma source(%dma_start3A_104 : memref<20000x64xf32, #tpu.memory_space<hbm>>) target(%dma_start3A_98 : memref<128x64xf32, #tpu.memory_space<vmem>>) offsets(%dma_start3A_101 : memref<128xi32, #tpu.memory_space<vmem>>) semaphore(%dma_start3A_106 : memref<!tpu.dma_semaphore, #tpu.memory_space<semaphore_mem>>)
      } else {
      }
      %dma_wait3A = arith.constant 0 : i32
      %dma_wait3A_82 = arith.constant 0 : i32
      %dma_wait3A_83 = tpu.memref_slice %arg8[%rem3A_73, %dma_wait3A, %dma_wait3A_82] : memref<2x128x64xf32, #tpu.memory_space<vmem>> -> memref<1x128x64xf32, #tpu.memory_space<vmem>>
      %dma_wait3A_84 = tpu.memref_squeeze %dma_wait3A_83 : memref<1x128x64xf32, #tpu.memory_space<vmem>> -> memref<128x64xf32, #tpu.memory_space<vmem>>
      %dma_wait3A_85 = arith.constant 0 : i32
      %dma_wait3A_86 = tpu.memref_slice %arg6[%scan3A_72, %dma_wait3A_85] : memref<157x128xi32, #tpu.memory_space<vmem>> -> memref<1x128xi32, #tpu.memory_space<vmem>>
      %dma_wait3A_87 = tpu.memref_squeeze %dma_wait3A_86 : memref<1x128xi32, #tpu.memory_space<vmem>> -> memref<128xi32, #tpu.memory_space<vmem>>
      %dma_wait3A_88 = arith.constant 0 : i32
      %dma_wait3A_89 = arith.constant 0 : i32
      %dma_wait3A_90 = tpu.memref_slice %arg2[%dma_wait3A_88, %dma_wait3A_89] : memref<20000x64xf32, #tpu.memory_space<hbm>> -> memref<20000x64xf32, #tpu.memory_space<hbm>>
      %dma_wait3A_91 = tpu.memref_slice %arg11[%rem3A_73] : memref<2x!tpu.dma_semaphore, #tpu.memory_space<semaphore_mem>> -> memref<1x!tpu.dma_semaphore, #tpu.memory_space<semaphore_mem>>
      %dma_wait3A_92 = tpu.memref_squeeze %dma_wait3A_91 : memref<1x!tpu.dma_semaphore, #tpu.memory_space<semaphore_mem>> -> memref<!tpu.dma_semaphore, #tpu.memory_space<semaphore_mem>>
      tpu.wait_indirect_dma semaphore(%dma_wait3A_92 : memref<!tpu.dma_semaphore, #tpu.memory_space<semaphore_mem>>) src(%dma_wait3A_90 : memref<20000x64xf32, #tpu.memory_space<hbm>>) dst(%dma_wait3A_84 : memref<128x64xf32, #tpu.memory_space<vmem>>)
      "tpu.region"() ({
        %run_scoped3A = tpu.sem_alloc : memref<!tpu.dma_semaphore, #tpu.memory_space<semaphore_mem>>
        %dma_start3A_93 = arith.constant 0 : i32
        %dma_start3A_94 = arith.constant 0 : i32
        %dma_start3A_95 = tpu.memref_slice %arg8[%rem3A_73, %dma_start3A_93, %dma_start3A_94] : memref<2x128x64xf32, #tpu.memory_space<vmem>> -> memref<1x128x64xf32, #tpu.memory_space<vmem>>
        %dma_start3A_96 = tpu.memref_squeeze %dma_start3A_95 : memref<1x128x64xf32, #tpu.memory_space<vmem>> -> memref<128x64xf32, #tpu.memory_space<vmem>>
        %dma_start3A_97 = arith.constant 0 : i32
        %dma_start3A_98 = tpu.memref_slice %arg7[%scan3A_72, %dma_start3A_97] : memref<157x128xi32, #tpu.memory_space<vmem>> -> memref<1x128xi32, #tpu.memory_space<vmem>>
        %dma_start3A_99 = tpu.memref_squeeze %dma_start3A_98 : memref<1x128xi32, #tpu.memory_space<vmem>> -> memref<128xi32, #tpu.memory_space<vmem>>
        %dma_start3A_100 = arith.constant 0 : i32
        %dma_start3A_101 = arith.constant 0 : i32
        %dma_start3A_102 = tpu.memref_slice %arg10[%dma_start3A_100, %dma_start3A_101] : memref<10240x64xf32, #tpu.memory_space<vmem_shared>> -> memref<10240x64xf32, #tpu.memory_space<vmem_shared>>
        tpu.enqueue_indirect_dma source(%dma_start3A_96 : memref<128x64xf32, #tpu.memory_space<vmem>>) target(%dma_start3A_102 : memref<10240x64xf32, #tpu.memory_space<vmem_shared>>) offsets(%dma_start3A_99 : memref<128xi32, #tpu.memory_space<vmem>>) semaphore(%run_scoped3A : memref<!tpu.dma_semaphore, #tpu.memory_space<semaphore_mem>>) {add = true}
        %dma_wait3A_103 = arith.constant 0 : i32
        %dma_wait3A_104 = arith.constant 0 : i32
        %dma_wait3A_105 = tpu.memref_slice %arg8[%rem3A_73, %dma_wait3A_103, %dma_wait3A_104] : memref<2x128x64xf32, #tpu.memory_space<vmem>> -> memref<1x128x64xf32, #tpu.memory_space<vmem>>
        %dma_wait3A_106 = tpu.memref_squeeze %dma_wait3A_105 : memref<1x128x64xf32, #tpu.memory_space<vmem>> -> memref<128x64xf32, #tpu.memory_space<vmem>>
        %dma_wait3A_107 = arith.constant 0 : i32
        %dma_wait3A_108 = tpu.memref_slice %arg7[%scan3A_72, %dma_wait3A_107] : memref<157x128xi32, #tpu.memory_space<vmem>> -> memref<1x128xi32, #tpu.memory_space<vmem>>
        %dma_wait3A_109 = tpu.memref_squeeze %dma_wait3A_108 : memref<1x128xi32, #tpu.memory_space<vmem>> -> memref<128xi32, #tpu.memory_space<vmem>>
        %dma_wait3A_110 = arith.constant 0 : i32
        %dma_wait3A_111 = arith.constant 0 : i32
        %dma_wait3A_112 = tpu.memref_slice %arg10[%dma_wait3A_110, %dma_wait3A_111] : memref<10240x64xf32, #tpu.memory_space<vmem_shared>> -> memref<10240x64xf32, #tpu.memory_space<vmem_shared>>
        tpu.wait_indirect_dma semaphore(%run_scoped3A : memref<!tpu.dma_semaphore, #tpu.memory_space<semaphore_mem>>) src(%dma_wait3A_106 : memref<128x64xf32, #tpu.memory_space<vmem>>) dst(%dma_wait3A_112 : memref<10240x64xf32, #tpu.memory_space<vmem_shared>>)
        tpu.yield
      }) : () -> ()
    }
    %scan3A_66 = arith.constant 157 : i32
    %barrier3A_67 = arith.constant 0 : index
    tpu.barrier barrier_id(%barrier3A_67)
    %mul3A_68 = arith.constant 640 : i32
    %mul3A_69 = arith.muli %arg1, %mul3A_68 : i32
    %mul3A_70 = arith.constant 640 : i32
    %mul3A_71 = arith.muli %arg1, %mul3A_70 : i32
    "tpu.region"() ({
      %run_scoped3A = tpu.sem_alloc : memref<!tpu.dma_semaphore, #tpu.memory_space<semaphore_mem>>
      %dma_start3A_72 = arith.constant 0 : i32
      %dma_start3A_73 = tpu.memref_slice %arg5[%arg0, %mul3A_71, %dma_start3A_72] : memref<2x10240x64xf32, #tpu.memory_space<hbm>> -> memref<1x640x64xf32, #tpu.memory_space<hbm>>
      %dma_start3A_74 = tpu.memref_squeeze %dma_start3A_73 : memref<1x640x64xf32, #tpu.memory_space<hbm>> -> memref<640x64xf32, #tpu.memory_space<hbm>>
      %dma_start3A_75 = arith.constant 0 : i32
      %dma_start3A_76 = tpu.memref_slice %arg10[%mul3A_69, %dma_start3A_75] : memref<10240x64xf32, #tpu.memory_space<vmem_shared>> -> memref<640x64xf32, #tpu.memory_space<vmem_shared>>
      tpu.enqueue_dma source(%dma_start3A_76 : memref<640x64xf32, #tpu.memory_space<vmem_shared>>) target(%dma_start3A_74 : memref<640x64xf32, #tpu.memory_space<hbm>>) target_semaphore(%run_scoped3A : memref<!tpu.dma_semaphore, #tpu.memory_space<semaphore_mem>>)
      %dma_wait3A = arith.constant 0 : i32
      %dma_wait3A_77 = tpu.memref_slice %arg5[%arg0, %mul3A_71, %dma_wait3A] : memref<2x10240x64xf32, #tpu.memory_space<hbm>> -> memref<1x640x64xf32, #tpu.memory_space<hbm>>
      %dma_wait3A_78 = tpu.memref_squeeze %dma_wait3A_77 : memref<1x640x64xf32, #tpu.memory_space<hbm>> -> memref<640x64xf32, #tpu.memory_space<hbm>>
      %dma_wait3A_79 = arith.constant 0 : i32
      %dma_wait3A_80 = tpu.memref_slice %arg10[%mul3A_69, %dma_wait3A_79] : memref<10240x64xf32, #tpu.memory_space<vmem_shared>> -> memref<640x64xf32, #tpu.memory_space<vmem_shared>>
      tpu.wait_dma2 semaphore(%run_scoped3A : memref<!tpu.dma_semaphore, #tpu.memory_space<semaphore_mem>>) src(%dma_wait3A_80 : memref<640x64xf32, #tpu.memory_space<vmem_shared>>) dst(%dma_wait3A_78 : memref<640x64xf32, #tpu.memory_space<hbm>>)
      tpu.yield
    }) : () -> ()
    return
  }
}

module attributes {stable_mosaic.version = 14 : i64} {
  func.func @_tc1_body(%arg0: i32, %arg1: memref<1000x128xf32, #tpu.memory_space<vmem>>, %arg2: memref<1000x128xf32, #tpu.memory_space<vmem>>, %arg3: memref<128x64xf32, #tpu.memory_space<vmem>>, %arg4: memref<1x64xf32, #tpu.memory_space<vmem>>, %arg5: memref<128x64xf32, #tpu.memory_space<vmem>>, %arg6: memref<1x64xf32, #tpu.memory_space<vmem>>, %arg7: memref<64x64xf32, #tpu.memory_space<vmem>>, %arg8: memref<64x64xf32, #tpu.memory_space<vmem>>, %arg9: memref<1x64xf32, #tpu.memory_space<vmem>>, %arg10: memref<64x64xf32, #tpu.memory_space<vmem>>, %arg11: memref<64x64xf32, #tpu.memory_space<vmem>>, %arg12: memref<1x64xf32, #tpu.memory_space<vmem>>, %arg13: memref<2x1000x64xf32, #tpu.memory_space<vmem>>, %arg14: memref<2x1000x64xf32, #tpu.memory_space<vmem>>) attributes {dimension_semantics = [#tpu.dimension_semantics<arbitrary>], iteration_bounds = array<i64: 10>, scalar_prefetch = 0 : i64, scratch_operands = 0 : i64, tpu.core_type = #tpu.core_type<tc>, window_params = [{transform_indices = @transform_0, window_bounds = array<i64: 1000, 128>}, {transform_indices = @transform_1, window_bounds = array<i64: 1000, 128>}, {pipeline_mode = #tpu.pipeline_mode<synchronous>, transform_indices = @transform_2, window_bounds = array<i64: 128, 64>}, {pipeline_mode = #tpu.pipeline_mode<synchronous>, transform_indices = @transform_3, window_bounds = array<i64: 1, 64>}, {pipeline_mode = #tpu.pipeline_mode<synchronous>, transform_indices = @transform_4, window_bounds = array<i64: 128, 64>}, {pipeline_mode = #tpu.pipeline_mode<synchronous>, transform_indices = @transform_5, window_bounds = array<i64: 1, 64>}, {pipeline_mode = #tpu.pipeline_mode<synchronous>, transform_indices = @transform_6, window_bounds = array<i64: 64, 64>}, {pipeline_mode = #tpu.pipeline_mode<synchronous>, transform_indices = @transform_7, window_bounds = array<i64: 64, 64>}, {pipeline_mode = #tpu.pipeline_mode<synchronous>, transform_indices = @transform_8, window_bounds = array<i64: 1, 64>}, {pipeline_mode = #tpu.pipeline_mode<synchronous>, transform_indices = @transform_9, window_bounds = array<i64: 64, 64>}, {pipeline_mode = #tpu.pipeline_mode<synchronous>, transform_indices = @transform_10, window_bounds = array<i64: 64, 64>}, {pipeline_mode = #tpu.pipeline_mode<synchronous>, transform_indices = @transform_11, window_bounds = array<i64: 1, 64>}, {transform_indices = @transform_12, window_bounds = array<i64: 2, 1000, 64>}, {transform_indices = @transform_13, window_bounds = array<i64: 2, 1000, 64>}]} {
    %get3A = arith.constant 0 : index
    %get3A_0 = arith.constant 0 : index
    %get3A_1 = vector.load %arg1[%get3A, %get3A_0] : memref<1000x128xf32, #tpu.memory_space<vmem>>, vector<1000x128xf32>
    %get3A_2 = arith.constant 0 : index
    %get3A_3 = arith.constant 0 : index
    %get3A_4 = vector.load %arg3[%get3A_2, %get3A_3] : memref<128x64xf32, #tpu.memory_space<vmem>>, vector<128x64xf32>
    %dot_general3A = arith.constant dense<0.000000e+00> : vector<1000x64xf32>
    %dot_general3A_5 = tpu.matmul %get3A_1, %get3A_4, %dot_general3A {dimension_numbers = #tpu.dot_dimension_numbers<[1], [0], [0], [1], [0, 0, 1, 1], [], []>, transpose_lhs_hint = false} : vector<1000x128xf32>, vector<128x64xf32>, vector<1000x64xf32> -> vector<1000x64xf32>
    %get3A_6 = arith.constant 0 : index
    %get3A_7 = arith.constant 0 : index
    %get3A_8 = vector.load %arg4[%get3A_6, %get3A_7] : memref<1x64xf32, #tpu.memory_space<vmem>>, vector<1x64xf32>
    %add3A = vector.broadcast %get3A_8 : vector<1x64xf32> to vector<1000x64xf32>
    %add3A_9 = arith.addf %dot_general3A_5, %add3A : vector<1000x64xf32>
    %max3A = arith.constant 0.000000e+00 : f32
    %max3A_10 = vector.broadcast %max3A : f32 to vector<1000x64xf32>
    %max3A_11 = arith.maximumf %add3A_9, %max3A_10 : vector<1000x64xf32>
    %get3A_12 = arith.constant 0 : index
    %get3A_13 = arith.constant 0 : index
    %get3A_14 = vector.load %arg2[%get3A_12, %get3A_13] : memref<1000x128xf32, #tpu.memory_space<vmem>>, vector<1000x128xf32>
    %get3A_15 = arith.constant 0 : index
    %get3A_16 = arith.constant 0 : index
    %get3A_17 = vector.load %arg5[%get3A_15, %get3A_16] : memref<128x64xf32, #tpu.memory_space<vmem>>, vector<128x64xf32>
    %dot_general3A_18 = arith.constant dense<0.000000e+00> : vector<1000x64xf32>
    %dot_general3A_19 = tpu.matmul %get3A_14, %get3A_17, %dot_general3A_18 {dimension_numbers = #tpu.dot_dimension_numbers<[1], [0], [0], [1], [0, 0, 1, 1], [], []>, transpose_lhs_hint = false} : vector<1000x128xf32>, vector<128x64xf32>, vector<1000x64xf32> -> vector<1000x64xf32>
    %get3A_20 = arith.constant 0 : index
    %get3A_21 = arith.constant 0 : index
    %get3A_22 = vector.load %arg6[%get3A_20, %get3A_21] : memref<1x64xf32, #tpu.memory_space<vmem>>, vector<1x64xf32>
    %add3A_23 = vector.broadcast %get3A_22 : vector<1x64xf32> to vector<1000x64xf32>
    %add3A_24 = arith.addf %dot_general3A_19, %add3A_23 : vector<1000x64xf32>
    %max3A_25 = arith.constant 0.000000e+00 : f32
    %max3A_26 = vector.broadcast %max3A_25 : f32 to vector<1000x64xf32>
    %max3A_27 = arith.maximumf %add3A_24, %max3A_26 : vector<1000x64xf32>
    %get3A_28 = arith.constant 0 : index
    %get3A_29 = arith.constant 0 : index
    %get3A_30 = vector.load %arg7[%get3A_28, %get3A_29] : memref<64x64xf32, #tpu.memory_space<vmem>>, vector<64x64xf32>
    %dot_general3A_31 = arith.constant dense<0.000000e+00> : vector<1000x64xf32>
    %dot_general3A_32 = tpu.matmul %max3A_11, %get3A_30, %dot_general3A_31 {dimension_numbers = #tpu.dot_dimension_numbers<[1], [0], [0], [1], [0, 0, 1, 1], [], []>, transpose_lhs_hint = false} : vector<1000x64xf32>, vector<64x64xf32>, vector<1000x64xf32> -> vector<1000x64xf32>
    %swap3A = arith.constant 0 : index
    %swap3A_33 = arith.constant 0 : index
    %swap3A_34 = arith.constant 0 : index
    %swap3A_35 = vector.load %arg13[%swap3A, %swap3A_33, %swap3A_34] : memref<2x1000x64xf32, #tpu.memory_space<vmem>>, vector<1x1000x64xf32>
    %swap3A_36 = vector.shape_cast %swap3A_35 : vector<1x1000x64xf32> to vector<1000x64xf32>
    %swap3A_37 = vector.shape_cast %dot_general3A_32 : vector<1000x64xf32> to vector<1x1000x64xf32>
    tpu.vector_store %arg13[%swap3A, %swap3A_33, %swap3A_34], %swap3A_37 {strides = array<i32>} : memref<2x1000x64xf32, #tpu.memory_space<vmem>>, vector<1x1000x64xf32>,
    %get3A_38 = arith.constant 0 : index
    %get3A_39 = arith.constant 0 : index
    %get3A_40 = vector.load %arg10[%get3A_38, %get3A_39] : memref<64x64xf32, #tpu.memory_space<vmem>>, vector<64x64xf32>
    %dot_general3A_41 = arith.constant dense<0.000000e+00> : vector<1000x64xf32>
    %dot_general3A_42 = tpu.matmul %max3A_27, %get3A_40, %dot_general3A_41 {dimension_numbers = #tpu.dot_dimension_numbers<[1], [0], [0], [1], [0, 0, 1, 1], [], []>, transpose_lhs_hint = false} : vector<1000x64xf32>, vector<64x64xf32>, vector<1000x64xf32> -> vector<1000x64xf32>
    %swap3A_43 = arith.constant 1 : index
    %swap3A_44 = arith.constant 0 : index
    %swap3A_45 = arith.constant 0 : index
    %swap3A_46 = vector.load %arg13[%swap3A_43, %swap3A_44, %swap3A_45] : memref<2x1000x64xf32, #tpu.memory_space<vmem>>, vector<1x1000x64xf32>
    %swap3A_47 = vector.shape_cast %swap3A_46 : vector<1x1000x64xf32> to vector<1000x64xf32>
    %swap3A_48 = vector.shape_cast %dot_general3A_42 : vector<1000x64xf32> to vector<1x1000x64xf32>
    tpu.vector_store %arg13[%swap3A_43, %swap3A_44, %swap3A_45], %swap3A_48 {strides = array<i32>} : memref<2x1000x64xf32, #tpu.memory_space<vmem>>, vector<1x1000x64xf32>,
    %get3A_49 = arith.constant 0 : index
    %get3A_50 = arith.constant 0 : index
    %get3A_51 = vector.load %arg8[%get3A_49, %get3A_50] : memref<64x64xf32, #tpu.memory_space<vmem>>, vector<64x64xf32>
    %dot_general3A_52 = arith.constant dense<0.000000e+00> : vector<1000x64xf32>
    %dot_general3A_53 = tpu.matmul %max3A_27, %get3A_51, %dot_general3A_52 {dimension_numbers = #tpu.dot_dimension_numbers<[1], [0], [0], [1], [0, 0, 1, 1], [], []>, transpose_lhs_hint = false} : vector<1000x64xf32>, vector<64x64xf32>, vector<1000x64xf32> -> vector<1000x64xf32>
    %get3A_54 = arith.constant 0 : index
    %get3A_55 = arith.constant 0 : index
    %get3A_56 = vector.load %arg9[%get3A_54, %get3A_55] : memref<1x64xf32, #tpu.memory_space<vmem>>, vector<1x64xf32>
    %add3A_57 = vector.broadcast %get3A_56 : vector<1x64xf32> to vector<1000x64xf32>
    %add3A_58 = arith.addf %dot_general3A_53, %add3A_57 : vector<1000x64xf32>
    %swap3A_59 = arith.constant 0 : index
    %swap3A_60 = arith.constant 0 : index
    %swap3A_61 = arith.constant 0 : index
    %swap3A_62 = vector.load %arg14[%swap3A_59, %swap3A_60, %swap3A_61] : memref<2x1000x64xf32, #tpu.memory_space<vmem>>, vector<1x1000x64xf32>
    %swap3A_63 = vector.shape_cast %swap3A_62 : vector<1x1000x64xf32> to vector<1000x64xf32>
    %swap3A_64 = vector.shape_cast %add3A_58 : vector<1000x64xf32> to vector<1x1000x64xf32>
    tpu.vector_store %arg14[%swap3A_59, %swap3A_60, %swap3A_61], %swap3A_64 {strides = array<i32>} : memref<2x1000x64xf32, #tpu.memory_space<vmem>>, vector<1x1000x64xf32>,
    %get3A_65 = arith.constant 0 : index
    %get3A_66 = arith.constant 0 : index
    %get3A_67 = vector.load %arg11[%get3A_65, %get3A_66] : memref<64x64xf32, #tpu.memory_space<vmem>>, vector<64x64xf32>
    %dot_general3A_68 = arith.constant dense<0.000000e+00> : vector<1000x64xf32>
    %dot_general3A_69 = tpu.matmul %max3A_11, %get3A_67, %dot_general3A_68 {dimension_numbers = #tpu.dot_dimension_numbers<[1], [0], [0], [1], [0, 0, 1, 1], [], []>, transpose_lhs_hint = false} : vector<1000x64xf32>, vector<64x64xf32>, vector<1000x64xf32> -> vector<1000x64xf32>
    %get3A_70 = arith.constant 0 : index
    %get3A_71 = arith.constant 0 : index
    %get3A_72 = vector.load %arg12[%get3A_70, %get3A_71] : memref<1x64xf32, #tpu.memory_space<vmem>>, vector<1x64xf32>
    %add3A_73 = vector.broadcast %get3A_72 : vector<1x64xf32> to vector<1000x64xf32>
    %add3A_74 = arith.addf %dot_general3A_69, %add3A_73 : vector<1000x64xf32>
    %swap3A_75 = arith.constant 1 : index
    %swap3A_76 = arith.constant 0 : index
    %swap3A_77 = arith.constant 0 : index
    %swap3A_78 = vector.load %arg14[%swap3A_75, %swap3A_76, %swap3A_77] : memref<2x1000x64xf32, #tpu.memory_space<vmem>>, vector<1x1000x64xf32>
    %swap3A_79 = vector.shape_cast %swap3A_78 : vector<1x1000x64xf32> to vector<1000x64xf32>
    %swap3A_80 = vector.shape_cast %add3A_74 : vector<1000x64xf32> to vector<1x1000x64xf32>
    tpu.vector_store %arg14[%swap3A_75, %swap3A_76, %swap3A_77], %swap3A_80 {strides = array<i32>} : memref<2x1000x64xf32, #tpu.memory_space<vmem>>, vector<1x1000x64xf32>,
    return
  }
  func.func @transform_0(%arg0: i32) -> (i32, i32) {
    %c0_i32 = arith.constant 0 : i32
    %c0_i32_0 = arith.constant 0 : i32
    return %arg0, %c0_i32 : i32, i32
  }
  func.func @transform_1(%arg0: i32) -> (i32, i32) {
    %c0_i32 = arith.constant 0 : i32
    %c0_i32_0 = arith.constant 0 : i32
    return %arg0, %c0_i32 : i32, i32
  }
  func.func @transform_2(%arg0: i32) -> (i32, i32) {
    %c0_i32 = arith.constant 0 : i32
    %c0_i32_0 = arith.constant 0 : i32
    %c0_i32_1 = arith.constant 0 : i32
    return %c0_i32, %c0_i32_0 : i32, i32
  }
  func.func @transform_3(%arg0: i32) -> (i32, i32) {
    %c0_i32 = arith.constant 0 : i32
    %c0_i32_0 = arith.constant 0 : i32
    %c0_i32_1 = arith.constant 0 : i32
    return %c0_i32, %c0_i32_0 : i32, i32
  }
  func.func @transform_4(%arg0: i32) -> (i32, i32) {
    %c0_i32 = arith.constant 0 : i32
    %c0_i32_0 = arith.constant 0 : i32
    %c0_i32_1 = arith.constant 0 : i32
    return %c0_i32, %c0_i32_0 : i32, i32
  }
  func.func @transform_5(%arg0: i32) -> (i32, i32) {
    %c0_i32 = arith.constant 0 : i32
    %c0_i32_0 = arith.constant 0 : i32
    %c0_i32_1 = arith.constant 0 : i32
    return %c0_i32, %c0_i32_0 : i32, i32
  }
  func.func @transform_6(%arg0: i32) -> (i32, i32) {
    %c0_i32 = arith.constant 0 : i32
    %c0_i32_0 = arith.constant 0 : i32
    %c0_i32_1 = arith.constant 0 : i32
    return %c0_i32, %c0_i32_0 : i32, i32
  }
  func.func @transform_7(%arg0: i32) -> (i32, i32) {
    %c0_i32 = arith.constant 0 : i32
    %c0_i32_0 = arith.constant 0 : i32
    %c0_i32_1 = arith.constant 0 : i32
    return %c0_i32, %c0_i32_0 : i32, i32
  }
  func.func @transform_8(%arg0: i32) -> (i32, i32) {
    %c0_i32 = arith.constant 0 : i32
    %c0_i32_0 = arith.constant 0 : i32
    %c0_i32_1 = arith.constant 0 : i32
    return %c0_i32, %c0_i32_0 : i32, i32
  }
  func.func @transform_9(%arg0: i32) -> (i32, i32) {
    %c0_i32 = arith.constant 0 : i32
    %c0_i32_0 = arith.constant 0 : i32
    %c0_i32_1 = arith.constant 0 : i32
    return %c0_i32, %c0_i32_0 : i32, i32
  }
  func.func @transform_10(%arg0: i32) -> (i32, i32) {
    %c0_i32 = arith.constant 0 : i32
    %c0_i32_0 = arith.constant 0 : i32
    %c0_i32_1 = arith.constant 0 : i32
    return %c0_i32, %c0_i32_0 : i32, i32
  }
  func.func @transform_11(%arg0: i32) -> (i32, i32) {
    %c0_i32 = arith.constant 0 : i32
    %c0_i32_0 = arith.constant 0 : i32
    %c0_i32_1 = arith.constant 0 : i32
    return %c0_i32, %c0_i32_0 : i32, i32
  }
  func.func @transform_12(%arg0: i32) -> (i32, i32, i32) {
    %c0_i32 = arith.constant 0 : i32
    %c0_i32_0 = arith.constant 0 : i32
    %c0_i32_1 = arith.constant 0 : i32
    return %c0_i32, %arg0, %c0_i32_0 : i32, i32, i32
  }
  func.func @transform_13(%arg0: i32) -> (i32, i32, i32) {
    %c0_i32 = arith.constant 0 : i32
    %c0_i32_0 = arith.constant 0 : i32
    %c0_i32_1 = arith.constant 0 : i32
    return %c0_i32, %arg0, %c0_i32_0 : i32, i32, i32
  }
}

module attributes {stable_mosaic.version = 14 : i64} {
  func.func @_tc2_body(%arg0: i32, %arg1: memref<2x1000x64xf32, #tpu.memory_space<vmem>>, %arg2: memref<2x1000x1xf32, #tpu.memory_space<vmem>>, %arg3: memref<2x1000x64xf32, #tpu.memory_space<vmem>>, %arg4: memref<64x64xf32, #tpu.memory_space<vmem>>, %arg5: memref<64x64xf32, #tpu.memory_space<vmem>>, %arg6: memref<1x64xf32, #tpu.memory_space<vmem>>, %arg7: memref<64x64xf32, #tpu.memory_space<vmem>>, %arg8: memref<64x64xf32, #tpu.memory_space<vmem>>, %arg9: memref<1x64xf32, #tpu.memory_space<vmem>>, %arg10: memref<2x1000x64xf32, #tpu.memory_space<vmem>>, %arg11: memref<2x1000x64xf32, #tpu.memory_space<vmem>>) attributes {dimension_semantics = [#tpu.dimension_semantics<arbitrary>], iteration_bounds = array<i64: 10>, scalar_prefetch = 0 : i64, scratch_operands = 0 : i64, tpu.core_type = #tpu.core_type<tc>, window_params = [{transform_indices = @transform_0, window_bounds = array<i64: 2, 1000, 64>}, {transform_indices = @transform_1, window_bounds = array<i64: 2, 1000, 1>}, {transform_indices = @transform_2, window_bounds = array<i64: 2, 1000, 64>}, {pipeline_mode = #tpu.pipeline_mode<synchronous>, transform_indices = @transform_3, window_bounds = array<i64: 64, 64>}, {pipeline_mode = #tpu.pipeline_mode<synchronous>, transform_indices = @transform_4, window_bounds = array<i64: 64, 64>}, {pipeline_mode = #tpu.pipeline_mode<synchronous>, transform_indices = @transform_5, window_bounds = array<i64: 1, 64>}, {pipeline_mode = #tpu.pipeline_mode<synchronous>, transform_indices = @transform_6, window_bounds = array<i64: 64, 64>}, {pipeline_mode = #tpu.pipeline_mode<synchronous>, transform_indices = @transform_7, window_bounds = array<i64: 64, 64>}, {pipeline_mode = #tpu.pipeline_mode<synchronous>, transform_indices = @transform_8, window_bounds = array<i64: 1, 64>}, {transform_indices = @transform_9, window_bounds = array<i64: 2, 1000, 64>}, {transform_indices = @transform_10, window_bounds = array<i64: 2, 1000, 64>}]} {
    %get3A = arith.constant 0 : index
    %get3A_0 = arith.constant 0 : index
    %get3A_1 = arith.constant 0 : index
    %get3A_2 = vector.load %arg1[%get3A, %get3A_0, %get3A_1] : memref<2x1000x64xf32, #tpu.memory_space<vmem>>, vector<1x1000x64xf32>
    %get3A_3 = vector.shape_cast %get3A_2 : vector<1x1000x64xf32> to vector<1000x64xf32>
    %get3A_4 = arith.constant 0 : index
    %get3A_5 = arith.constant 0 : index
    %get3A_6 = arith.constant 0 : index
    %get3A_7 = vector.load %arg2[%get3A_4, %get3A_5, %get3A_6] : memref<2x1000x1xf32, #tpu.memory_space<vmem>>, vector<1x1000x1xf32>
    %get3A_8 = vector.shape_cast %get3A_7 : vector<1x1000x1xf32> to vector<1000x1xf32>
    %mul3A = vector.broadcast %get3A_8 : vector<1000x1xf32> to vector<1000x64xf32>
    %mul3A_9 = arith.mulf %get3A_3, %mul3A : vector<1000x64xf32>
    %get3A_10 = arith.constant 0 : index
    %get3A_11 = arith.constant 0 : index
    %get3A_12 = arith.constant 0 : index
    %get3A_13 = vector.load %arg3[%get3A_10, %get3A_11, %get3A_12] : memref<2x1000x64xf32, #tpu.memory_space<vmem>>, vector<1x1000x64xf32>
    %get3A_14 = vector.shape_cast %get3A_13 : vector<1x1000x64xf32> to vector<1000x64xf32>
    %add3A = arith.addf %mul3A_9, %get3A_14 : vector<1000x64xf32>
    %max3A = arith.constant 0.000000e+00 : f32
    %max3A_15 = vector.broadcast %max3A : f32 to vector<1000x64xf32>
    %max3A_16 = arith.maximumf %add3A, %max3A_15 : vector<1000x64xf32>
    %get3A_17 = arith.constant 1 : index
    %get3A_18 = arith.constant 0 : index
    %get3A_19 = arith.constant 0 : index
    %get3A_20 = vector.load %arg1[%get3A_17, %get3A_18, %get3A_19] : memref<2x1000x64xf32, #tpu.memory_space<vmem>>, vector<1x1000x64xf32>
    %get3A_21 = vector.shape_cast %get3A_20 : vector<1x1000x64xf32> to vector<1000x64xf32>
    %get3A_22 = arith.constant 1 : index
    %get3A_23 = arith.constant 0 : index
    %get3A_24 = arith.constant 0 : index
    %get3A_25 = vector.load %arg2[%get3A_22, %get3A_23, %get3A_24] : memref<2x1000x1xf32, #tpu.memory_space<vmem>>, vector<1x1000x1xf32>
    %get3A_26 = vector.shape_cast %get3A_25 : vector<1x1000x1xf32> to vector<1000x1xf32>
    %mul3A_27 = vector.broadcast %get3A_26 : vector<1000x1xf32> to vector<1000x64xf32>
    %mul3A_28 = arith.mulf %get3A_21, %mul3A_27 : vector<1000x64xf32>
    %get3A_29 = arith.constant 1 : index
    %get3A_30 = arith.constant 0 : index
    %get3A_31 = arith.constant 0 : index
    %get3A_32 = vector.load %arg3[%get3A_29, %get3A_30, %get3A_31] : memref<2x1000x64xf32, #tpu.memory_space<vmem>>, vector<1x1000x64xf32>
    %get3A_33 = vector.shape_cast %get3A_32 : vector<1x1000x64xf32> to vector<1000x64xf32>
    %add3A_34 = arith.addf %mul3A_28, %get3A_33 : vector<1000x64xf32>
    %max3A_35 = arith.constant 0.000000e+00 : f32
    %max3A_36 = vector.broadcast %max3A_35 : f32 to vector<1000x64xf32>
    %max3A_37 = arith.maximumf %add3A_34, %max3A_36 : vector<1000x64xf32>
    %get3A_38 = arith.constant 0 : index
    %get3A_39 = arith.constant 0 : index
    %get3A_40 = vector.load %arg4[%get3A_38, %get3A_39] : memref<64x64xf32, #tpu.memory_space<vmem>>, vector<64x64xf32>
    %dot_general3A = arith.constant dense<0.000000e+00> : vector<1000x64xf32>
    %dot_general3A_41 = tpu.matmul %max3A_37, %get3A_40, %dot_general3A {dimension_numbers = #tpu.dot_dimension_numbers<[1], [0], [0], [1], [0, 0, 1, 1], [], []>, transpose_lhs_hint = false} : vector<1000x64xf32>, vector<64x64xf32>, vector<1000x64xf32> -> vector<1000x64xf32>
    %swap3A = arith.constant 0 : index
    %swap3A_42 = arith.constant 0 : index
    %swap3A_43 = arith.constant 0 : index
    %swap3A_44 = vector.load %arg10[%swap3A, %swap3A_42, %swap3A_43] : memref<2x1000x64xf32, #tpu.memory_space<vmem>>, vector<1x1000x64xf32>
    %swap3A_45 = vector.shape_cast %swap3A_44 : vector<1x1000x64xf32> to vector<1000x64xf32>
    %swap3A_46 = vector.shape_cast %dot_general3A_41 : vector<1000x64xf32> to vector<1x1000x64xf32>
    tpu.vector_store %arg10[%swap3A, %swap3A_42, %swap3A_43], %swap3A_46 {strides = array<i32>} : memref<2x1000x64xf32, #tpu.memory_space<vmem>>, vector<1x1000x64xf32>,
    %get3A_47 = arith.constant 0 : index
    %get3A_48 = arith.constant 0 : index
    %get3A_49 = vector.load %arg7[%get3A_47, %get3A_48] : memref<64x64xf32, #tpu.memory_space<vmem>>, vector<64x64xf32>
    %dot_general3A_50 = arith.constant dense<0.000000e+00> : vector<1000x64xf32>
    %dot_general3A_51 = tpu.matmul %max3A_16, %get3A_49, %dot_general3A_50 {dimension_numbers = #tpu.dot_dimension_numbers<[1], [0], [0], [1], [0, 0, 1, 1], [], []>, transpose_lhs_hint = false} : vector<1000x64xf32>, vector<64x64xf32>, vector<1000x64xf32> -> vector<1000x64xf32>
    %swap3A_52 = arith.constant 1 : index
    %swap3A_53 = arith.constant 0 : index
    %swap3A_54 = arith.constant 0 : index
    %swap3A_55 = vector.load %arg10[%swap3A_52, %swap3A_53, %swap3A_54] : memref<2x1000x64xf32, #tpu.memory_space<vmem>>, vector<1x1000x64xf32>
    %swap3A_56 = vector.shape_cast %swap3A_55 : vector<1x1000x64xf32> to vector<1000x64xf32>
    %swap3A_57 = vector.shape_cast %dot_general3A_51 : vector<1000x64xf32> to vector<1x1000x64xf32>
    tpu.vector_store %arg10[%swap3A_52, %swap3A_53, %swap3A_54], %swap3A_57 {strides = array<i32>} : memref<2x1000x64xf32, #tpu.memory_space<vmem>>, vector<1x1000x64xf32>,
    %get3A_58 = arith.constant 0 : index
    %get3A_59 = arith.constant 0 : index
    %get3A_60 = vector.load %arg5[%get3A_58, %get3A_59] : memref<64x64xf32, #tpu.memory_space<vmem>>, vector<64x64xf32>
    %dot_general3A_61 = arith.constant dense<0.000000e+00> : vector<1000x64xf32>
    %dot_general3A_62 = tpu.matmul %max3A_16, %get3A_60, %dot_general3A_61 {dimension_numbers = #tpu.dot_dimension_numbers<[1], [0], [0], [1], [0, 0, 1, 1], [], []>, transpose_lhs_hint = false} : vector<1000x64xf32>, vector<64x64xf32>, vector<1000x64xf32> -> vector<1000x64xf32>
    %get3A_63 = arith.constant 0 : index
    %get3A_64 = arith.constant 0 : index
    %get3A_65 = vector.load %arg6[%get3A_63, %get3A_64] : memref<1x64xf32, #tpu.memory_space<vmem>>, vector<1x64xf32>
    %add3A_66 = vector.broadcast %get3A_65 : vector<1x64xf32> to vector<1000x64xf32>
    %add3A_67 = arith.addf %dot_general3A_62, %add3A_66 : vector<1000x64xf32>
    %swap3A_68 = arith.constant 0 : index
    %swap3A_69 = arith.constant 0 : index
    %swap3A_70 = arith.constant 0 : index
    %swap3A_71 = vector.load %arg11[%swap3A_68, %swap3A_69, %swap3A_70] : memref<2x1000x64xf32, #tpu.memory_space<vmem>>, vector<1x1000x64xf32>
    %swap3A_72 = vector.shape_cast %swap3A_71 : vector<1x1000x64xf32> to vector<1000x64xf32>
    %swap3A_73 = vector.shape_cast %add3A_67 : vector<1000x64xf32> to vector<1x1000x64xf32>
    tpu.vector_store %arg11[%swap3A_68, %swap3A_69, %swap3A_70], %swap3A_73 {strides = array<i32>} : memref<2x1000x64xf32, #tpu.memory_space<vmem>>, vector<1x1000x64xf32>,
    %get3A_74 = arith.constant 0 : index
    %get3A_75 = arith.constant 0 : index
    %get3A_76 = vector.load %arg8[%get3A_74, %get3A_75] : memref<64x64xf32, #tpu.memory_space<vmem>>, vector<64x64xf32>
    %dot_general3A_77 = arith.constant dense<0.000000e+00> : vector<1000x64xf32>
    %dot_general3A_78 = tpu.matmul %max3A_37, %get3A_76, %dot_general3A_77 {dimension_numbers = #tpu.dot_dimension_numbers<[1], [0], [0], [1], [0, 0, 1, 1], [], []>, transpose_lhs_hint = false} : vector<1000x64xf32>, vector<64x64xf32>, vector<1000x64xf32> -> vector<1000x64xf32>
    %get3A_79 = arith.constant 0 : index
    %get3A_80 = arith.constant 0 : index
    %get3A_81 = vector.load %arg9[%get3A_79, %get3A_80] : memref<1x64xf32, #tpu.memory_space<vmem>>, vector<1x64xf32>
    %add3A_82 = vector.broadcast %get3A_81 : vector<1x64xf32> to vector<1000x64xf32>
    %add3A_83 = arith.addf %dot_general3A_78, %add3A_82 : vector<1000x64xf32>
    %swap3A_84 = arith.constant 1 : index
    %swap3A_85 = arith.constant 0 : index
    %swap3A_86 = arith.constant 0 : index
    %swap3A_87 = vector.load %arg11[%swap3A_84, %swap3A_85, %swap3A_86] : memref<2x1000x64xf32, #tpu.memory_space<vmem>>, vector<1x1000x64xf32>
    %swap3A_88 = vector.shape_cast %swap3A_87 : vector<1x1000x64xf32> to vector<1000x64xf32>
    %swap3A_89 = vector.shape_cast %add3A_83 : vector<1000x64xf32> to vector<1x1000x64xf32>
    tpu.vector_store %arg11[%swap3A_84, %swap3A_85, %swap3A_86], %swap3A_89 {strides = array<i32>} : memref<2x1000x64xf32, #tpu.memory_space<vmem>>, vector<1x1000x64xf32>,
    return
  }
  func.func @transform_0(%arg0: i32) -> (i32, i32, i32) {
    %c0_i32 = arith.constant 0 : i32
    %c0_i32_0 = arith.constant 0 : i32
    %c0_i32_1 = arith.constant 0 : i32
    return %c0_i32, %arg0, %c0_i32_0 : i32, i32, i32
  }
  func.func @transform_1(%arg0: i32) -> (i32, i32, i32) {
    %c0_i32 = arith.constant 0 : i32
    %c0_i32_0 = arith.constant 0 : i32
    %c0_i32_1 = arith.constant 0 : i32
    return %c0_i32, %arg0, %c0_i32_0 : i32, i32, i32
  }
  func.func @transform_2(%arg0: i32) -> (i32, i32, i32) {
    %c0_i32 = arith.constant 0 : i32
    %c0_i32_0 = arith.constant 0 : i32
    %c0_i32_1 = arith.constant 0 : i32
    return %c0_i32, %arg0, %c0_i32_0 : i32, i32, i32
  }
  func.func @transform_3(%arg0: i32) -> (i32, i32) {
    %c0_i32 = arith.constant 0 : i32
    %c0_i32_0 = arith.constant 0 : i32
    %c0_i32_1 = arith.constant 0 : i32
    return %c0_i32, %c0_i32_0 : i32, i32
  }
  func.func @transform_4(%arg0: i32) -> (i32, i32) {
    %c0_i32 = arith.constant 0 : i32
    %c0_i32_0 = arith.constant 0 : i32
    %c0_i32_1 = arith.constant 0 : i32
    return %c0_i32, %c0_i32_0 : i32, i32
  }
  func.func @transform_5(%arg0: i32) -> (i32, i32) {
    %c0_i32 = arith.constant 0 : i32
    %c0_i32_0 = arith.constant 0 : i32
    %c0_i32_1 = arith.constant 0 : i32
    return %c0_i32, %c0_i32_0 : i32, i32
  }
  func.func @transform_6(%arg0: i32) -> (i32, i32) {
    %c0_i32 = arith.constant 0 : i32
    %c0_i32_0 = arith.constant 0 : i32
    %c0_i32_1 = arith.constant 0 : i32
    return %c0_i32, %c0_i32_0 : i32, i32
  }
  func.func @transform_7(%arg0: i32) -> (i32, i32) {
    %c0_i32 = arith.constant 0 : i32
    %c0_i32_0 = arith.constant 0 : i32
    %c0_i32_1 = arith.constant 0 : i32
    return %c0_i32, %c0_i32_0 : i32, i32
  }
  func.func @transform_8(%arg0: i32) -> (i32, i32) {
    %c0_i32 = arith.constant 0 : i32
    %c0_i32_0 = arith.constant 0 : i32
    %c0_i32_1 = arith.constant 0 : i32
    return %c0_i32, %c0_i32_0 : i32, i32
  }
  func.func @transform_9(%arg0: i32) -> (i32, i32, i32) {
    %c0_i32 = arith.constant 0 : i32
    %c0_i32_0 = arith.constant 0 : i32
    %c0_i32_1 = arith.constant 0 : i32
    return %c0_i32, %arg0, %c0_i32_0 : i32, i32, i32
  }
  func.func @transform_10(%arg0: i32) -> (i32, i32, i32) {
    %c0_i32 = arith.constant 0 : i32
    %c0_i32_0 = arith.constant 0 : i32
    %c0_i32_1 = arith.constant 0 : i32
    return %c0_i32, %arg0, %c0_i32_0 : i32, i32, i32
  }
}

module attributes {stable_mosaic.version = 14 : i64} {
  func.func @_tc3_body(%arg0: i32, %arg1: memref<2x1000x64xf32, #tpu.memory_space<vmem>>, %arg2: memref<2x1000x1xf32, #tpu.memory_space<vmem>>, %arg3: memref<2x1000x64xf32, #tpu.memory_space<vmem>>, %arg4: memref<64x64xf32, #tpu.memory_space<vmem>>, %arg5: memref<1x64xf32, #tpu.memory_space<vmem>>, %arg6: memref<64x64xf32, #tpu.memory_space<vmem>>, %arg7: memref<1x64xf32, #tpu.memory_space<vmem>>, %arg8: memref<1000x64xf32, #tpu.memory_space<vmem>>, %arg9: memref<1000x64xf32, #tpu.memory_space<vmem>>) attributes {dimension_semantics = [#tpu.dimension_semantics<arbitrary>], iteration_bounds = array<i64: 10>, scalar_prefetch = 0 : i64, scratch_operands = 0 : i64, tpu.core_type = #tpu.core_type<tc>, window_params = [{transform_indices = @transform_0, window_bounds = array<i64: 2, 1000, 64>}, {transform_indices = @transform_1, window_bounds = array<i64: 2, 1000, 1>}, {transform_indices = @transform_2, window_bounds = array<i64: 2, 1000, 64>}, {pipeline_mode = #tpu.pipeline_mode<synchronous>, transform_indices = @transform_3, window_bounds = array<i64: 64, 64>}, {pipeline_mode = #tpu.pipeline_mode<synchronous>, transform_indices = @transform_4, window_bounds = array<i64: 1, 64>}, {pipeline_mode = #tpu.pipeline_mode<synchronous>, transform_indices = @transform_5, window_bounds = array<i64: 64, 64>}, {pipeline_mode = #tpu.pipeline_mode<synchronous>, transform_indices = @transform_6, window_bounds = array<i64: 1, 64>}, {transform_indices = @transform_7, window_bounds = array<i64: 1000, 64>}, {transform_indices = @transform_8, window_bounds = array<i64: 1000, 64>}]} {
    %get3A = arith.constant 0 : index
    %get3A_0 = arith.constant 0 : index
    %get3A_1 = arith.constant 0 : index
    %get3A_2 = vector.load %arg1[%get3A, %get3A_0, %get3A_1] : memref<2x1000x64xf32, #tpu.memory_space<vmem>>, vector<1x1000x64xf32>
    %get3A_3 = vector.shape_cast %get3A_2 : vector<1x1000x64xf32> to vector<1000x64xf32>
    %get3A_4 = arith.constant 0 : index
    %get3A_5 = arith.constant 0 : index
    %get3A_6 = arith.constant 0 : index
    %get3A_7 = vector.load %arg2[%get3A_4, %get3A_5, %get3A_6] : memref<2x1000x1xf32, #tpu.memory_space<vmem>>, vector<1x1000x1xf32>
    %get3A_8 = vector.shape_cast %get3A_7 : vector<1x1000x1xf32> to vector<1000x1xf32>
    %mul3A = vector.broadcast %get3A_8 : vector<1000x1xf32> to vector<1000x64xf32>
    %mul3A_9 = arith.mulf %get3A_3, %mul3A : vector<1000x64xf32>
    %get3A_10 = arith.constant 0 : index
    %get3A_11 = arith.constant 0 : index
    %get3A_12 = arith.constant 0 : index
    %get3A_13 = vector.load %arg3[%get3A_10, %get3A_11, %get3A_12] : memref<2x1000x64xf32, #tpu.memory_space<vmem>>, vector<1x1000x64xf32>
    %get3A_14 = vector.shape_cast %get3A_13 : vector<1x1000x64xf32> to vector<1000x64xf32>
    %add3A = arith.addf %mul3A_9, %get3A_14 : vector<1000x64xf32>
    %max3A = arith.constant 0.000000e+00 : f32
    %max3A_15 = vector.broadcast %max3A : f32 to vector<1000x64xf32>
    %max3A_16 = arith.maximumf %add3A, %max3A_15 : vector<1000x64xf32>
    %get3A_17 = arith.constant 1 : index
    %get3A_18 = arith.constant 0 : index
    %get3A_19 = arith.constant 0 : index
    %get3A_20 = vector.load %arg1[%get3A_17, %get3A_18, %get3A_19] : memref<2x1000x64xf32, #tpu.memory_space<vmem>>, vector<1x1000x64xf32>
    %get3A_21 = vector.shape_cast %get3A_20 : vector<1x1000x64xf32> to vector<1000x64xf32>
    %get3A_22 = arith.constant 1 : index
    %get3A_23 = arith.constant 0 : index
    %get3A_24 = arith.constant 0 : index
    %get3A_25 = vector.load %arg2[%get3A_22, %get3A_23, %get3A_24] : memref<2x1000x1xf32, #tpu.memory_space<vmem>>, vector<1x1000x1xf32>
    %get3A_26 = vector.shape_cast %get3A_25 : vector<1x1000x1xf32> to vector<1000x1xf32>
    %mul3A_27 = vector.broadcast %get3A_26 : vector<1000x1xf32> to vector<1000x64xf32>
    %mul3A_28 = arith.mulf %get3A_21, %mul3A_27 : vector<1000x64xf32>
    %get3A_29 = arith.constant 1 : index
    %get3A_30 = arith.constant 0 : index
    %get3A_31 = arith.constant 0 : index
    %get3A_32 = vector.load %arg3[%get3A_29, %get3A_30, %get3A_31] : memref<2x1000x64xf32, #tpu.memory_space<vmem>>, vector<1x1000x64xf32>
    %get3A_33 = vector.shape_cast %get3A_32 : vector<1x1000x64xf32> to vector<1000x64xf32>
    %add3A_34 = arith.addf %mul3A_28, %get3A_33 : vector<1000x64xf32>
    %max3A_35 = arith.constant 0.000000e+00 : f32
    %max3A_36 = vector.broadcast %max3A_35 : f32 to vector<1000x64xf32>
    %max3A_37 = arith.maximumf %add3A_34, %max3A_36 : vector<1000x64xf32>
    %get3A_38 = arith.constant 0 : index
    %get3A_39 = arith.constant 0 : index
    %get3A_40 = vector.load %arg4[%get3A_38, %get3A_39] : memref<64x64xf32, #tpu.memory_space<vmem>>, vector<64x64xf32>
    %dot_general3A = arith.constant dense<0.000000e+00> : vector<1000x64xf32>
    %dot_general3A_41 = tpu.matmul %max3A_37, %get3A_40, %dot_general3A {dimension_numbers = #tpu.dot_dimension_numbers<[1], [0], [0], [1], [0, 0, 1, 1], [], []>, transpose_lhs_hint = false} : vector<1000x64xf32>, vector<64x64xf32>, vector<1000x64xf32> -> vector<1000x64xf32>
    %get3A_42 = arith.constant 0 : index
    %get3A_43 = arith.constant 0 : index
    %get3A_44 = vector.load %arg5[%get3A_42, %get3A_43] : memref<1x64xf32, #tpu.memory_space<vmem>>, vector<1x64xf32>
    %add3A_45 = vector.broadcast %get3A_44 : vector<1x64xf32> to vector<1000x64xf32>
    %add3A_46 = arith.addf %dot_general3A_41, %add3A_45 : vector<1000x64xf32>
    %swap3A = arith.constant 0 : index
    %swap3A_47 = arith.constant 0 : index
    %swap3A_48 = vector.load %arg8[%swap3A, %swap3A_47] : memref<1000x64xf32, #tpu.memory_space<vmem>>, vector<1000x64xf32>
    tpu.vector_store %arg8[%swap3A, %swap3A_47], %add3A_46 {strides = array<i32>} : memref<1000x64xf32, #tpu.memory_space<vmem>>, vector<1000x64xf32>,
    %get3A_49 = arith.constant 0 : index
    %get3A_50 = arith.constant 0 : index
    %get3A_51 = vector.load %arg6[%get3A_49, %get3A_50] : memref<64x64xf32, #tpu.memory_space<vmem>>, vector<64x64xf32>
    %dot_general3A_52 = arith.constant dense<0.000000e+00> : vector<1000x64xf32>
    %dot_general3A_53 = tpu.matmul %max3A_16, %get3A_51, %dot_general3A_52 {dimension_numbers = #tpu.dot_dimension_numbers<[1], [0], [0], [1], [0, 0, 1, 1], [], []>, transpose_lhs_hint = false} : vector<1000x64xf32>, vector<64x64xf32>, vector<1000x64xf32> -> vector<1000x64xf32>
    %get3A_54 = arith.constant 0 : index
    %get3A_55 = arith.constant 0 : index
    %get3A_56 = vector.load %arg7[%get3A_54, %get3A_55] : memref<1x64xf32, #tpu.memory_space<vmem>>, vector<1x64xf32>
    %add3A_57 = vector.broadcast %get3A_56 : vector<1x64xf32> to vector<1000x64xf32>
    %add3A_58 = arith.addf %dot_general3A_53, %add3A_57 : vector<1000x64xf32>
    %swap3A_59 = arith.constant 0 : index
    %swap3A_60 = arith.constant 0 : index
    %swap3A_61 = vector.load %arg9[%swap3A_59, %swap3A_60] : memref<1000x64xf32, #tpu.memory_space<vmem>>, vector<1000x64xf32>
    tpu.vector_store %arg9[%swap3A_59, %swap3A_60], %add3A_58 {strides = array<i32>} : memref<1000x64xf32, #tpu.memory_space<vmem>>, vector<1000x64xf32>,
    return
  }
  func.func @transform_0(%arg0: i32) -> (i32, i32, i32) {
    %c0_i32 = arith.constant 0 : i32
    %c0_i32_0 = arith.constant 0 : i32
    %c0_i32_1 = arith.constant 0 : i32
    return %c0_i32, %arg0, %c0_i32_0 : i32, i32, i32
  }
  func.func @transform_1(%arg0: i32) -> (i32, i32, i32) {
    %c0_i32 = arith.constant 0 : i32
    %c0_i32_0 = arith.constant 0 : i32
    %c0_i32_1 = arith.constant 0 : i32
    return %c0_i32, %arg0, %c0_i32_0 : i32, i32, i32
  }
  func.func @transform_2(%arg0: i32) -> (i32, i32, i32) {
    %c0_i32 = arith.constant 0 : i32
    %c0_i32_0 = arith.constant 0 : i32
    %c0_i32_1 = arith.constant 0 : i32
    return %c0_i32, %arg0, %c0_i32_0 : i32, i32, i32
  }
  func.func @transform_3(%arg0: i32) -> (i32, i32) {
    %c0_i32 = arith.constant 0 : i32
    %c0_i32_0 = arith.constant 0 : i32
    %c0_i32_1 = arith.constant 0 : i32
    return %c0_i32, %c0_i32_0 : i32, i32
  }
  func.func @transform_4(%arg0: i32) -> (i32, i32) {
    %c0_i32 = arith.constant 0 : i32
    %c0_i32_0 = arith.constant 0 : i32
    %c0_i32_1 = arith.constant 0 : i32
    return %c0_i32, %c0_i32_0 : i32, i32
  }
  func.func @transform_5(%arg0: i32) -> (i32, i32) {
    %c0_i32 = arith.constant 0 : i32
    %c0_i32_0 = arith.constant 0 : i32
    %c0_i32_1 = arith.constant 0 : i32
    return %c0_i32, %c0_i32_0 : i32, i32
  }
  func.func @transform_6(%arg0: i32) -> (i32, i32) {
    %c0_i32 = arith.constant 0 : i32
    %c0_i32_0 = arith.constant 0 : i32
    %c0_i32_1 = arith.constant 0 : i32
    return %c0_i32, %c0_i32_0 : i32, i32
  }
  func.func @transform_7(%arg0: i32) -> (i32, i32) {
    %c0_i32 = arith.constant 0 : i32
    %c0_i32_0 = arith.constant 0 : i32
    return %arg0, %c0_i32 : i32, i32
  }
  func.func @transform_8(%arg0: i32) -> (i32, i32) {
    %c0_i32 = arith.constant 0 : i32
    %c0_i32_0 = arith.constant 0 : i32
    return %arg0, %c0_i32 : i32, i32
  }
}

</mosaic_0001>

<sc_bundles>
// kernel: kernel.10.cloned.1.call-start
scs
__scs_entry_jumppad:
0x0: {  	(pc) =	sbr.rel $0x88, $3  }
0x1: {  	(tag) =	ssettag $0x0;
	lr =	simm.s32 $0x1  }
0x2: {  	[smem:$0x3F89] =	sst lr;
	_ =	strace $0xD0000000  }
0x3: {  	_ = 	snop  }
0x4: {  	_ = 	snop  }
0x5: {  	_ = 	snop  }
0x6: {  	_ = 	snop  }
0x7: {  	_ = 	snop  }
__scs_overlays_trampoline_lowered:
0x8: {  	[smem:$0x3F98] =	sst s0  }
0x9: {  	[smem:$0x3F99] =	sst s1  }
0xa: {  	[smem:$0x3F9A] =	sst s2  }
0xb: {  	[smem:$0x3F9B] =	sst s3  }
0xc: {  	[smem:$0x3F9C] =	sst s4  }
0xd: {  	[smem:$0x3F9D] =	sst s5  }
0xe: {  	[smem:$0x3F9E] =	sst s6  }
0xf: {  	[smem:$0x3F9F] =	sst s7  }
0x10: {  	[smem:$0x3FA0] =	sst s8  }
0x11: {  	[smem:$0x3FA1] =	sst s9;
	s0 =	simm.s32 @!p0 $0x0  }
0x12: {  	s1 =	sld [smem:$0x3F87];
	s0 =	simm.s32 @p0 $0x1  }
0x13: {  	[smem:$0x3FA2] =	sst s0;
	s0 =	simm.s32 @!p1 $0x0  }
0x14: {  	s2 =	sld [smem:$0x3F86];
	s0 =	simm.s32 @p1 $0x1  }
0x15: {  	[smem:$0x3FA3] =	sst s0;
	s0 =	simm.s32 @!p2 $0x0  }
0x16: {  	s3 =	sld [smem:$0x3FDB];
	s0 =	simm.s32 @p2 $0x1  }
0x17: {  	s4 =	simm.s32 $0x1BF5;
	[smem:$0x3FA5] =	sst s0  }
0x18: {  	s0 =	sld [smem:$0x3F88];
	_ =	swait.ge [sflag:s4], $0x0  }
0x19: {  	s7 =	sld [smem:$0x3F89]  }
0x1a: {  	s8 =	sadd.s32 $0xFFFFE003, lr  }
0x1b: {  	s9 =	sadd.s32 $0xFFFFFEF7, lr;
	s5 =	simm.s32 $0xFFFFFFFF;
	p2 =	slt.u32 s8, $0xFFFFF086  }
0x1c: {  	p1 =	slt.u32 s9, $0xF7A;
	s5 =	simm.s32 @!p2 $0x0  }
0x1d: {  	s5 =	simm.s32 @p1 $0x1;
	p0 =	seq.s32 s7, s2  }
0x1e: {  	s7 =	smul.u32 @!p0 $0xF7A, s2;
	p2 =	seq.s32 @!p0 s5, $0x0  }
0x1f: {  	s9 =	smul.u32 $0xF7A, s1;
	s8 =	simm.s32 @!p0 $0x1BF5;
	p2 =	por !p2, p0  }
0x20: {  	[sflag:s8] =	ssyncset.s32 @!p0 $0xFFFFF086;
	s6 =	sadd.s32 @!p0 s3, s7;
	s7 =	simm.s32 @!p0 $0x108  }
0x21: {  	s3 =	sadd.s32 s3, s9;
	s6 =	sadd.s32 @!p0 $0x88, s6;
	s7 =	simm.s32 @p2 $0x1082  }
0x22: {  	[simem:s7], [sflag:s8] =	dma.local @!p0 [hbm:s6], $0xF7A  }
0x23: {  	s9 =	sor.u32 $0xD0000000, s2;
	s6 =	simm.s32 $0x108;
	_ =	swait.ge @!p0 [sflag:s8], $0x0  }
0x24: {  	s3 =	sadd.s32 $0x88, s3;
	s6 =	simm.s32 @!p1 $0x1082;
	[sflag:s4] =	ssyncset.s32 $0xFFFFF086  }
0x25: {  	[simem:s6], [sflag:s4] =	dma.local [hbm:s3], $0xF7A  }
0x26: {  	[smem:$0x3F89] =	sst s1;
	(tag) =	ssettag s2;
	_ =	strace s9  }
0x27: {  	s1 =	sld [smem:$0x3F99]  }
0x28: {  	s2 =	sld [smem:$0x3F9A]  }
0x29: {  	s4 =	sld [smem:$0x3F9C]  }
0x2a: {  	p0 =	seq.s32 s5, $0x0;
	s5 =	sld [smem:$0x3F9D]  }
0x2b: {  	s6 =	sld [smem:$0x3F9E]  }
0x2c: {  	s7 =	sld [smem:$0x3F9F]  }
0x2d: {  	s3 =	simm.s32 $0x108;
	s8 =	sld [smem:$0x3FA0]  }
0x2e: {  	s3 =	simm.s32 @!p0 $0x1082;
	s9 =	sld [smem:$0x3FA1]  }
0x2f: {  	lr =	sadd.s32 s0, s3;
	s0 =	sld [smem:$0x3F98]  }
0x30: {  	s3 =	sld [smem:$0x3F9B]  }
0x31: {  	[smem:$0x3FA4] =	sst s10  }
0x32: {  	s10 =	sld [smem:$0x3FA2];
	_ =	sdelay $0x3  }
0x33: {  	p0 =	seq.s32 s10, $0x1;
	s10 =	sld [smem:$0x3FA4];
	_ =	sdelay $0x3  }
0x34: {  	[smem:$0x3FA4] =	sst s10  }
0x35: {  	s10 =	sld [smem:$0x3FA3];
	_ =	sdelay $0x3  }
0x36: {  	p1 =	seq.s32 s10, $0x1;
	s10 =	sld [smem:$0x3FA4];
	_ =	sdelay $0x3  }
0x37: {  	[smem:$0x3FA4] =	sst s10  }
0x38: {  	s10 =	sld [smem:$0x3FA5]  }
0x39: {  	_ = 	snop;
	(pc) =	sbr.ind lr, $3  }
0x3a: {  	_ = 	snop  }
0x3b: {  	_ = 	snop  }
0x3c: {  	p2 =	seq.s32 s10, $0x1;
	s10 =	sld [smem:$0x3FA4]  }
0x3d: {  	_ =	shalt  }
0x3e: {  	_ =	shalt  }
0x3f: {  	_ =	shalt  }
0x40: {  	_ =	shalt  }
0x41: {  	_ =	shalt  }
0x42: {  	_ =	shalt  }
0x43: {  	_ =	shalt  }
0x44: {  	_ =	shalt  }
0x45: {  	_ =	shalt  }
0x46: {  	_ =	shalt  }
0x47: {  	_ =	shalt  }
0x48: {  	_ =	shalt  }
0x49: {  	_ =	shalt  }
0x4a: {  	_ =	shalt  }
0x4b: {  	_ =	shalt  }
0x4c: {  	_ =	shalt  }
0x4d: {  	_ =	shalt  }
0x4e: {  	_ =	shalt  }
0x4f: {  	_ =	shalt  }
0x50: {  	_ =	shalt  }
0x51: {  	_ =	shalt  }
0x52: {  	_ =	shalt  }
0x53: {  	_ =	shalt  }
0x54: {  	_ =	shalt  }
0x55: {  	_ =	shalt  }
0x56: {  	_ =	shalt  }
0x57: {  	_ =	shalt  }
0x58: {  	_ =	shalt  }
0x59: {  	_ =	shalt  }
0x5a: {  	_ =	shalt  }
0x5b: {  	_ =	shalt  }
0x5c: {  	_ =	shalt  }
0x5d: {  	_ =	shalt  }
0x5e: {  	_ =	shalt  }
0x5f: {  	_ =	shalt  }
0x60: {  	_ =	shalt  }
0x61: {  	_ =	shalt  }
0x62: {  	_ =	shalt  }
0x63: {  	_ =	shalt  }
0x64: {  	_ =	shalt  }
0x65: {  	_ =	shalt  }
0x66: {  	_ =	shalt  }
0x67: {  	_ =	shalt  }
0x68: {  	_ =	shalt  }
0x69: {  	_ =	shalt  }
0x6a: {  	_ =	shalt  }
0x6b: {  	_ =	shalt  }
0x6c: {  	_ =	shalt  }
0x6d: {  	_ =	shalt  }
0x6e: {  	_ =	shalt  }
0x6f: {  	_ =	shalt  }
0x70: {  	_ =	shalt  }
0x71: {  	_ =	shalt  }
0x72: {  	_ =	shalt  }
0x73: {  	_ =	shalt  }
0x74: {  	_ =	shalt  }
0x75: {  	_ =	shalt  }
0x76: {  	_ =	shalt  }
0x77: {  	_ =	shalt  }
0x78: {  	_ =	shalt  }
0x79: {  	_ =	shalt  }
0x7a: {  	_ =	shalt  }
0x7b: {  	_ =	shalt  }
0x7c: {  	_ =	shalt  }
0x7d: {  	_ =	shalt  }
0x7e: {  	_ =	shalt  }
0x7f: {  	_ =	shalt  }
0x80: {  	_ =	shalt  }
0x81: {  	_ =	shalt  }
0x82: {  	_ =	shalt  }
0x83: {  	_ =	shalt  }
0x84: {  	_ =	shalt  }
0x85: {  	_ =	shalt  }
0x86: {  	_ =	shalt  }
0x87: {  	_ =	shalt  }
.Lfunc_end0:
.L_simem_size_0:
called_computation.1_lowered:
.L_overlay_start_0:
0x88: {  	s2 =	sld [smem:$0x3FD9]  }
0x89: {  	s3 =	sld [smem:$0x3FFE];
	_ =	sdelay $0x1  }
0x8a: {  	s1 =	srdreg.scid  }
0x8b: {  	s0 =	sand.u32 $0x1, s1  }
0x8c: {  	s14 =	sshll.u32 s0, $0xA;
	s2 =	sadd.s32 s3, s2  }
0x8d: {  	s2 =	sadd.s32 s2, s14  }
0x8e: {  	[smem:$0x3FB0] =	sst s2  }
0x8f: {  	_ = 	snop  }
0x90: {  	s2 =	sld [smem:$0x3FD0];
	_ =	sdelay $0x2  }
0x91: {  	s15 =	simm.s32 $0xA;
	s4 =	simm.s32 $0x10  }
0x92: {  	[smem:s4], [sflag:s15] =	dma.local [hbm:s2], $0x1  }
0x93: {  	_ =	swait.eq [sflag:s15], $0x1  }
0x94: {  	[sflag:s15] =	ssyncset.done $0x0  }
0x95: {  	s16 =	sld [smem:$0x10];
	[sflag:s15] =	ssyncadd.s32 $0xFFFFFFFF  }
0x96: {  	s17 =	sld [smem:$0x11];
	(tm) =	ssettm $0x1  }
0x97: {  	s18 =	sld [smem:$0x3FFB];
	_ =	sdelay $0x3  }
0x98: {  	_ =	strace s18  }
0x99: {  	s4 =	sld [smem:$0x3FFC];
	_ =	sdelay $0x3  }
0x9a: {  	_ =	strace s4  }
0x9b: {  	s4 =	sld [smem:$0x3FFD];
	_ =	sdelay $0x3  }
0x9c: {  	_ =	strace s4  }
0x9d: {  	_ =	strace $0x8FFFFFFF  }
0x9e: {  	s19 =	sld [smem:$0x3FDB];
	_ =	sdelay $0x1  }
0x9f: {  	s5 =	simm.s32 $_scs_section_size  }
0xa0: {  	s6 =	simm.s32 $_size__tile_overlayer_lowered;
	s7 =	simm.s32 $_tile_overlayer_lowered  }
0xa1: {  	s22 =	simm.s32 $0x1BFF;
	s21 =	sshll.u32 s7, $0x1;
	s4 =	sadd.s32 s5, s19  }
0xa2: {  	s8 =	simm.s32 $0x0;
	s20 =	sshll.u32 s6, $0x1;
	s6 =	sadd.s32 s21, s4  }
0xa3: {  	[timem:s8], [sflag:s22] =	dma.local [hbm:s6], s20  }
0xa4: {  	_ =	swait.ge [sflag:s22], s20  }
0xa5: {  	s5 =	ssub.s32 $0x0, s20;
	[sflag:s22] =	ssyncset.done $0x0  }
0xa6: {  	[sflag:s22] =	ssyncadd.s32 s5;
	_ =	sdelay $0x1  }
0xa7: {  	s23 =	simm.s32 $0x1B8B  }
0xa8: {  	_ =	swait.ge [sflag:s23], $0x1  }
0xa9: {  	[sflag:s23] =	ssyncset.done $0x0  }
0xaa: {  	s25 =	simm.s32 $0x1B8E;
	s24 =	sld [smem:$0x3FFE];
	[sflag:s23] =	ssyncadd.s32 $0xFFFFFFFF  }
0xab: {  	s26 =	simm.s32 $execute0_lowered;
	[smem:$0x3FD2] =	sst s25  }
0xac: {  	s6 =	sshll.u32 s26, $0x1;
	_ =	strace $0x80000049;
	[dreg:$0x1] =	wrdreg $0xFFFFFFFF  }
0xad: {  	s28 =	simm.s32 $_size_execute0_lowered;
	s4 =	sadd.s32 s4, s6;
	[dreg:$0x0] =	wrdreg $0x0  }
0xae: {  	s6 =	sshll.u32 s28, $0x1;
	[dreg:$0x2] =	wrdreg s4  }
0xaf: {  	[dreg:$0x3] =	wrdreg s6  }
0xb0: {  	[dreg:$0x4] =	wrdreg $0xC0  }
0xb1: {  	_ =	task [dreg:s8], $0x5FFFF  }
0xb2: {  	[dreg:$0x1] =	wrdreg $0xFFFFFFFF  }
0xb3: {  	[dreg:$0x0] =	wrdreg $0x60  }
0xb4: {  	[dreg:$0x2] =	wrdreg s24  }
0xb5: {  	[dreg:$0x3] =	wrdreg s17  }
0xb6: {  	[dreg:$0x4] =	wrdreg s16  }
0xb7: {  	[dreg:$0x5] =	wrdreg $0xED000  }
0xb8: {  	[dreg:$0x6] =	wrdreg $0x9  }
0xb9: {  	_ =	task.clear_ibuf [dreg:s8], $0x7FFFF;
	_ =	strace $0x90000049  }
0xba: {  	s29 =	simm.s32 $0x9;
	_ =	strace $0x8000004B  }
0xbb: {  	_ =	swait.ge [sflag:s29], $0x1  }
0xbc: {  	[sflag:s29] =	ssyncadd.s32 $0xFFFFFFFF  }
0xbd: {  	_ =	strace $0x9000004B  }
0xbe: {  	_ =	sfence  }
0xbf: {  	s30 =	sld [smem:$0x0];
	_ =	sdelay $0x2  }
0xc0: {  	s31 =	sshll.u32 s1, $0xD;
	s1 =	sshrl.u32 s1, $0x2  }
0xc1: {  	s3 =	sand.u32 $0x4000, s31;
	s1 =	sadd.s32 s1, s30  }
0xc2: {  	s0 =	sor.u32 s3, s0;
	s1 =	sshll.u32 s1, $0x11  }
0xc3: {  	s0 =	sor.u32 s1, s0  }
0xc4: {  	s0 =	sadd.s32 $0x8F2B, s0  }
0xc5: {  	[sflag:s0] =	ssyncadd.remote.s32 $0x1  }
0xc6: {  	_ =	sfence.sel $0xFFFF  }
0xc7: {  	[dreg:$0x0] =	wrdreg $0xFFFFFFFF;
	(pc) =	sbr.abs _section_cstart, $3  }
0xc8: {  	[dreg:$0x1] =	wrdreg $0xFFFFFFFF  }
0xc9: {  	_ =	task.clear_ibuf [dreg:s8], $0x2FFFF;
	_ =	strace $0x9FFFFFFF  }
0xca: {  	(tm) =	ssettm $0x7FFFFFFF  }
0xcb: {  	_ =	shalt  }
tec
execute0_lowered:
.L_overlay_start_1:
0x0: {  	(tag) =	ssettag $0x1  }
0x1: {  	s5 =	rddreg [dreg:$0x0]  }
0x2: {  	s15 =	rddreg [dreg:$0x1]  }
0x3: {  	s16 =	rddreg [dreg:$0x2];
	s1 =	srdreg.scid  }
0x4: {  	s0 =	stileid.u32;
	s2 =	rddreg [dreg:$0x3]  }
0x5: {  	s3 =	simm.s32 $0x0;
	s20 =	simm.s32 $0x3;
	s21 =	simm.s32 $0x9D00  }
0x6: {  	s22 =	simm.s32 $0x80;
	s23 =	simm.s32 $0x1;
	s7 =	smul.u32 $0xA000, s0  }
0x7: {  	s25 =	simm.s32 $0x0;
	s6 =	sand.u32 $0x1, s1;
	s10 =	smul.u32 $0x28000, s0  }
0x8: {  	[smem:$0x7FF] =	sst s3;
	s4 =	smul.u32 $0xA0000, s6;
	s9 =	ssub.s32 $0x2, s6  }
0x9: {  	_ =	strace $0x8000004A;
	s30 =	sshll.u32 s6, $0x4;
	s29 =	sshrl.u32 s9, $0x1  }
0xa: {  	s31 =	sshrl.u32 s10, $0x2;
	s11 =	sor.u32 s0, s30;
	s4 =	sadd.s32 s7, s4  }
0xb: {  	s18 =	ssub.s32 s9, s29;
	s14 =	sadd.s32 s31, s2;
	s19 =	smul.u32 $0x9D0, s11  }
0xc: {  	s8 =	sshrl.u32 s4, $0x3;
	s4 =	sadd.s32 $0x3800, s5;
	s6 =	sadd.s32 $0x1000, s14  }
0xd: {  	s9 =	sadd.s32 $0x4000, s14;
	s10 =	sadd.s32 $0x5000, s14;
	s11 =	sadd.s32 $0x6000, s14  }
0xe: {  	s12 =	sadd.s32 $0x7000, s14;
	s13 =	sadd.s32 $0x8000, s14;
	s18 =	smax.u32 s18, $0x1  }
0xf: {  	s17 =	sadd.s32 s8, s5;
	s5 =	sadd.s32 s7, s2;
	s7 =	sadd.s32 $0x2000, s14  }
0x10: {  	s8 =	sadd.s32 $0x3000, s14;
	s14 =	sadd.s32 $0x9000, s14;
	s15 =	sadd.s32 s15, s19  }
0x11: {  	v0 =	vimm.f32 $0.0e+00;
	s16 =	sadd.s32 s16, s19;
	s19 =	simm.s32 $0xDD00;
	s17 =	sadd.s32 $0xA1A00, s17  }
.LBB2_1:
0x12: {  	s28 =	simm.s32 $0x100;
	s26 =	simm.s32 $0x0  }
.LBB2_2:
0x13: {  	p0 =	sne.s32 s28, $0x3F00;
	[tilespmem:s26+$0xDD30] =	vst v0;
	s29 =	smov.u32 s28;
	s28 =	sadd.s32 $0x100, s28  }
.Ltmp0:
0x14: {  	[tilespmem:s26+$0xDD20] =	vst v0;
	(pc) =	sbr.rel @p0 .LBB2_2-.Ltmp0, $3  }
0x15: {  	[tilespmem:s26+$0xDD00] =	vst v0  }
0x16: {  	[tilespmem:s26+$0xDD10] =	vst v0;
	_ =	sdelay $0x1  }
0x17: {  	s26 =	sshra.s32 s29, $0x2  }
0x18: {  	[tilespmem:s26+$0xDD30] =	vst v0  }
0x19: {  	[tilespmem:s26+$0xDD20] =	vst v0  }
0x1a: {  	[tilespmem:s26+$0xDD00] =	vst v0  }
0x1b: {  	[tilespmem:s26+$0xDD10] =	vst v0  }
0x1c: {  	[spmem:s5] =	stream.linear.scatter [tilespmem:s19], [sflag:$0x3], $0x1000, $0x38;
	[tilespmem:$0x18D00] =	vst v63  }
0x1d: {  	_ =	swait.ge [sflag:s20], $0x1000  }
0x1e: {  	[sflag:s20] =	ssyncset.done $0x0  }
0x1f: {  	[sflag:s20] =	ssyncadd.s32 $0xFFFFF000  }
0x20: {  	[spmem:s6] =	stream.linear.scatter [tilespmem:s19], [sflag:$0x3], $0x1000, $0x38;
	[tilespmem:$0x18D00] =	vst v63  }
0x21: {  	_ =	swait.ge [sflag:s20], $0x1000  }
0x22: {  	[sflag:s20] =	ssyncset.done $0x0  }
0x23: {  	[sflag:s20] =	ssyncadd.s32 $0xFFFFF000  }
0x24: {  	[spmem:s7] =	stream.linear.scatter [tilespmem:s19], [sflag:$0x3], $0x1000, $0x38;
	[tilespmem:$0x18D00] =	vst v63  }
0x25: {  	_ =	swait.ge [sflag:s20], $0x1000  }
0x26: {  	[sflag:s20] =	ssyncset.done $0x0  }
0x27: {  	[sflag:s20] =	ssyncadd.s32 $0xFFFFF000  }
0x28: {  	[spmem:s8] =	stream.linear.scatter [tilespmem:s19], [sflag:$0x3], $0x1000, $0x38;
	[tilespmem:$0x18D00] =	vst v63  }
0x29: {  	_ =	swait.ge [sflag:s20], $0x1000  }
0x2a: {  	[sflag:s20] =	ssyncset.done $0x0  }
0x2b: {  	[sflag:s20] =	ssyncadd.s32 $0xFFFFF000  }
0x2c: {  	[spmem:s9] =	stream.linear.scatter [tilespmem:s19], [sflag:$0x3], $0x1000, $0x38;
	[tilespmem:$0x18D00] =	vst v63  }
0x2d: {  	_ =	swait.ge [sflag:s20], $0x1000  }
0x2e: {  	[sflag:s20] =	ssyncset.done $0x0  }
0x2f: {  	[sflag:s20] =	ssyncadd.s32 $0xFFFFF000  }
0x30: {  	[spmem:s10] =	stream.linear.scatter [tilespmem:s19], [sflag:$0x3], $0x1000, $0x38;
	[tilespmem:$0x18D00] =	vst v63  }
0x31: {  	_ =	swait.ge [sflag:s20], $0x1000  }
0x32: {  	[sflag:s20] =	ssyncset.done $0x0  }
0x33: {  	[sflag:s20] =	ssyncadd.s32 $0xFFFFF000  }
0x34: {  	[spmem:s11] =	stream.linear.scatter [tilespmem:s19], [sflag:$0x3], $0x1000, $0x38;
	[tilespmem:$0x18D00] =	vst v63  }
0x35: {  	_ =	swait.ge [sflag:s20], $0x1000  }
0x36: {  	[sflag:s20] =	ssyncset.done $0x0  }
0x37: {  	[sflag:s20] =	ssyncadd.s32 $0xFFFFF000  }
0x38: {  	[spmem:s12] =	stream.linear.scatter [tilespmem:s19], [sflag:$0x3], $0x1000, $0x38;
	[tilespmem:$0x18D00] =	vst v63  }
0x39: {  	_ =	swait.ge [sflag:s20], $0x1000  }
0x3a: {  	[sflag:s20] =	ssyncset.done $0x0  }
0x3b: {  	[sflag:s20] =	ssyncadd.s32 $0xFFFFF000  }
0x3c: {  	[spmem:s13] =	stream.linear.scatter [tilespmem:s19], [sflag:$0x3], $0x1000, $0x38;
	[tilespmem:$0x18D00] =	vst v63  }
0x3d: {  	_ =	swait.ge [sflag:s20], $0x1000  }
0x3e: {  	[sflag:s20] =	ssyncset.done $0x0  }
0x3f: {  	[sflag:s20] =	ssyncadd.s32 $0xFFFFF000  }
0x40: {  	[spmem:s14] =	stream.linear.scatter [tilespmem:s19], [sflag:$0x3], $0x1000, $0x38;
	[tilespmem:$0x18D00] =	vst v63  }
0x41: {  	_ =	swait.ge [sflag:s20], $0x1000  }
0x42: {  	[sflag:s20] =	ssyncset.done $0x0  }
0x43: {  	[sflag:s20] =	ssyncadd.s32 $0xFFFFF000  }
0x44: {  	[tilespmem:s3], [sflag:$0x3] =	stream.linear.gather [hbm4b:s15+s3], $0x4E80, $0x38;
	[tilespmem:$0x18D00] =	vst v63  }
0x45: {  	_ =	swait.ge [sflag:s20], $0x4E80  }
0x46: {  	[sflag:s20] =	ssyncset.done $0x0  }
0x47: {  	s24 =	simm.s32 $0x4E80;
	[sflag:s20] =	ssyncadd.s32 $0xFFFFB180  }
0x48: {  	[tilespmem:s24], [sflag:$0x3] =	stream.linear.gather [hbm4b:s16+s3], $0x4E80, $0x38;
	[tilespmem:$0x18D00] =	vst v63  }
0x49: {  	_ =	swait.ge [sflag:s20], $0x4E80  }
0x4a: {  	s28 =	simm.s32 $0x80;
	s29 =	simm.s32 $0x1;
	[sflag:s20] =	ssyncset.done $0x0  }
0x4b: {  	s30 =	simm.s32 $0x0;
	s29 =	sand.u32 $0x1, s29;
	[sflag:s20] =	ssyncadd.s32 $0xFFFFB180  }
0x4c: {  	s30 =	sand.u32 $0x1, s30;
	s31 =	sshll.u32 s29, $0xD;
	[bflag:$0x0] =	sbarrier.arrive $0xFFFF  }
0x4d: {  	[tilespmem:s21], [sflag:$0x1] =	stream.indirect.gather [hbm4b:s4+s28], $0x40, s3, s28, $0xb8;
	[tilespmem:$0x18D00] =	vst v63  }
0x4e: {  	s29 =	sadd.s32 $0x1, s29;
	s1 =	sadd.s32 $0x1, s30;
	s31 =	sor.u32 $0x9D00, s31  }
0x4f: {  	[tilespmem:s31], [sflag:s29] =	stream.indirect.gather [hbm4b:s4+s22], $0x40, s28, s22, $0xb8;
	[tilespmem:$0x18D00] =	vst v63  }
0x50: {  	s26 =	simm.s32 $0x4F00;
	_ =	swait.ge [sflag:s1], $0x2000  }
0x51: {  	s28 =	sshll.u32 s30, $0xD;
	s29 =	simm.s32 $0x2;
	[sflag:s1] =	ssyncset.done $0x0  }
0x52: {  	s30 =	simm.s32 $0x3;
	s28 =	sor.u32 $0x9D00, s28;
	[sflag:s1] =	ssyncadd.s32 $0xFFFFE000  }
0x53: {  	[spmem:s2] =	stream.indirect.scatter.add.f32 [tilespmem:s28], [sflag:$0x3], $0x40, s24, s22, $0xb8;
	[tilespmem:$0x18D00] =	vst v63  }
0x54: {  	s31 =	sand.u32 $0x1, s29;
	s28 =	simm.s32 $0x100;
	_ =	swait.ge [sflag:s20], $0x2000  }
.LBB2_4:
0x55: {  	s1 =	sadd.s32 $0xFFFFFFFF, s29;
	s0 =	sshll.u32 s31, $0xD  }
0x56: {  	[sflag:s20] =	ssyncset.done $0x0;
	s29 =	smov.u32 s30;
	s31 =	sadd.s32 $0x1, s31  }
0x57: {  	p0 =	sne.s32 s30, $0x9C;
	s1 =	sand.u32 $0x1, s1;
	s0 =	sor.u32 $0x9D00, s0  }
0x58: {  	s24 =	sshll.u32 s1, $0xD;
	s1 =	sadd.s32 $0x1, s1;
	[sflag:s20] =	ssyncadd.s32 $0xFFFFE000  }
0x59: {  	[tilespmem:s0], [sflag:s31] =	stream.indirect.gather [hbm4b:s4+s22], $0x40, s28, s22, $0xb8;
	[tilespmem:$0x18D00] =	vst v63  }
.Ltmp1:
0x5a: {  	s0 =	sadd.s32 $0x1, s30;
	_ =	swait.ge [sflag:s1], $0x2000;
	(pc) =	sbr.rel @p0 .LBB2_4-.Ltmp1, $4  }
0x5b: {  	s24 =	sor.u32 $0x9D00, s24;
	[sflag:s1] =	ssyncset.done $0x0  }
0x5c: {  	s28 =	sadd.s32 $0x80, s28;
	s31 =	sand.u32 $0x1, s29;
	[sflag:s1] =	ssyncadd.s32 $0xFFFFE000  }
0x5d: {  	[spmem:s2] =	stream.indirect.scatter.add.f32 [tilespmem:s24], [sflag:$0x3], $0x40, s26, s22, $0xb8;
	[tilespmem:$0x18D00] =	vst v63  }
0x5e: {  	s30 =	smov.u32 s0;
	s26 =	sadd.s32 $0x80, s26;
	_ =	swait.ge [sflag:s20], $0x2000  }
0x5f: {  	s0 =	sadd.s32 $0xFFFFFFFF, s29;
	s1 =	sshll.u32 s31, $0xD  }
0x60: {  	[sflag:s20] =	ssyncset.done $0x0;
	s24 =	sadd.s32 $0x1, s31;
	s0 =	sand.u32 $0x1, s0  }
0x61: {  	s1 =	sor.u32 $0x9D00, s1;
	[sflag:s20] =	ssyncadd.s32 $0xFFFFE000;
	s31 =	sadd.s32 $0x1, s0  }
0x62: {  	[tilespmem:s1], [sflag:s24] =	stream.indirect.gather [hbm4b:s4+s22], $0x40, s28, s22, $0xb8;
	[tilespmem:$0x18D00] =	vst v63  }
0x63: {  	_ =	swait.ge [sflag:s31], $0x2000  }
0x64: {  	s0 =	sshll.u32 s0, $0xD;
	[sflag:s31] =	ssyncset.done $0x0  }
0x65: {  	s0 =	sor.u32 $0x9D00, s0;
	[sflag:s31] =	ssyncadd.s32 $0xFFFFE000  }
0x66: {  	[spmem:s2] =	stream.indirect.scatter.add.f32 [tilespmem:s0], [sflag:$0x3], $0x40, s26, s22, $0xb8;
	[tilespmem:$0x18D00] =	vst v63  }
0x67: {  	_ =	swait.ge [sflag:s20], $0x2000  }
0x68: {  	[sflag:s20] =	ssyncset.done $0x0  }
0x69: {  	[sflag:s20] =	ssyncadd.s32 $0xFFFFE000  }
0x6a: {  	_ =	swait.ge [sflag:s23], $0x2000  }
0x6b: {  	[sflag:s23] =	ssyncset.done $0x0  }
0x6c: {  	s29 =	simm.s32 $0x9C80;
	[sflag:s23] =	ssyncadd.s32 $0xFFFFE000  }
0x6d: {  	[spmem:s2] =	stream.indirect.scatter.add.f32 [tilespmem:s21], [sflag:$0x3], $0x40, s29, s22, $0xb8;
	[tilespmem:$0x18D00] =	vst v63  }
0x6e: {  	s25 =	sadd.s32 $0x1, s25;
	_ =	swait.ge [sflag:s20], $0x2000  }
0x6f: {  	s30 =	stileid.u32;
	p0 =	sne.s32 s25, s18;
	[sflag:s20] =	ssyncset.done $0x0  }
0x70: {  	s31 =	sshrl.u32 s5, $0x3;
	s0 =	sshll.u32 s30, $0x6;
	[sflag:s20] =	ssyncadd.s32 $0xFFFFE000  }
.Ltmp2:
0x71: {  	s0 =	sor.u32 $0x1C03, s0;
	[bflag:$0x0] =	sbarrier.arrive $0xFFFF;
	(pc) =	sbr.rel @p0 .LBB2_1-.Ltmp2, $4  }
0x72: {  	[hbm:s17], [sflag:s0] =	dma.local [spmem:s31], $0x1400  }
0x73: {  	_ =	swait.ge [sflag:s20], $0x1400  }
0x74: {  	[sflag:s20] =	ssyncset.done $0x0  }
0x75: {  	[sflag:s20] =	ssyncadd.s32 $0xFFFFEC00  }
0x76: {  	_ =	sfence.sel $0x180000  }
0x77: {  	[bflag:$0x0] =	sbarrier.arrive $0xFFFF  }
0x78: {  	_ =	strace $0x9000004A  }
0x79: {  	s0 =	stileid.u32;
	[bflag:$0x2] =	sbarrier.arrive $0xFFFF  }
0x7a: {  	p0 =	sne.s32 s0, $0x0;
	s0 =	rddreg [dreg:$0x4]  }
0x7b: {  	s0 =	sadd.s32 @!p0 $0x100000, s0  }
0x7c: {  	[sflag:s0] =	ssyncadd.tile.s32 @!p0 $0x1;
	_ =	shalt  }
.Lfunc_end2:
_tile_overlayer_lowered:
.L_overlay_start_2:
0x7d: {  	(tag) =	ssettag $0x2  }
0x7e: {  	s0 =	rddreg [dreg:$0x0];
	s2 =	stileid.u32  }
0x7f: {  	s1 =	rddreg [dreg:$0x1];
	p0 =	sne.s32 s2, $0x0  }
0x80: {  	s3 =	rddreg [dreg:$0x2];
	[bflag:$0x3] =	sbarrier.arrive $0xFFFF;
	s2 =	simm.s32 @!p0 $0x1C03  }
0x81: {  	[timem:s3], [sflag:s2] =	dma.local @!p0 [hbm:s0], s1  }
0x82: {  	s0 =	simm.s32 @!p0 $0x3  }
0x83: {  	_ =	swait.ge @!p0 [sflag:s0], s1  }
0x84: {  	s1 =	ssub.s32 @!p0 $0x0, s1;
	[sflag:s0] =	ssyncset.done @!p0 $0x0  }
0x85: {  	[sflag:s0] =	ssyncadd.s32 @!p0 s1  }
0x86: {  	[bflag:$0x3] =	sbarrier.arrive $0xFFFF  }
0x87: {  	_ =	shalt  }

// kernel: kernel.7.cloned.1.call-start
scs
__scs_entry_jumppad:
0x0: {  	(pc) =	sbr.rel $0x88, $3  }
0x1: {  	(tag) =	ssettag $0x0;
	lr =	simm.s32 $0x1  }
0x2: {  	[smem:$0x3F89] =	sst lr;
	_ =	strace $0xD0000000  }
0x3: {  	_ = 	snop  }
0x4: {  	_ = 	snop  }
0x5: {  	_ = 	snop  }
0x6: {  	_ = 	snop  }
0x7: {  	_ = 	snop  }
__scs_overlays_trampoline_lowered:
0x8: {  	[smem:$0x3F98] =	sst s0  }
0x9: {  	[smem:$0x3F99] =	sst s1  }
0xa: {  	[smem:$0x3F9A] =	sst s2  }
0xb: {  	[smem:$0x3F9B] =	sst s3  }
0xc: {  	[smem:$0x3F9C] =	sst s4  }
0xd: {  	[smem:$0x3F9D] =	sst s5  }
0xe: {  	[smem:$0x3F9E] =	sst s6  }
0xf: {  	[smem:$0x3F9F] =	sst s7  }
0x10: {  	[smem:$0x3FA0] =	sst s8  }
0x11: {  	[smem:$0x3FA1] =	sst s9;
	s0 =	simm.s32 @!p0 $0x0  }
0x12: {  	s1 =	sld [smem:$0x3F87];
	s0 =	simm.s32 @p0 $0x1  }
0x13: {  	[smem:$0x3FA2] =	sst s0;
	s0 =	simm.s32 @!p1 $0x0  }
0x14: {  	s2 =	sld [smem:$0x3F86];
	s0 =	simm.s32 @p1 $0x1  }
0x15: {  	[smem:$0x3FA3] =	sst s0;
	s0 =	simm.s32 @!p2 $0x0  }
0x16: {  	s3 =	sld [smem:$0x3FDB];
	s0 =	simm.s32 @p2 $0x1  }
0x17: {  	s4 =	simm.s32 $0x1BF5;
	[smem:$0x3FA5] =	sst s0  }
0x18: {  	s0 =	sld [smem:$0x3F88];
	_ =	swait.ge [sflag:s4], $0x0  }
0x19: {  	s7 =	sld [smem:$0x3F89]  }
0x1a: {  	s8 =	sadd.s32 $0xFFFFE003, lr  }
0x1b: {  	s9 =	sadd.s32 $0xFFFFFEF7, lr;
	s5 =	simm.s32 $0xFFFFFFFF;
	p2 =	slt.u32 s8, $0xFFFFF086  }
0x1c: {  	p1 =	slt.u32 s9, $0xF7A;
	s5 =	simm.s32 @!p2 $0x0  }
0x1d: {  	s5 =	simm.s32 @p1 $0x1;
	p0 =	seq.s32 s7, s2  }
0x1e: {  	s7 =	smul.u32 @!p0 $0xF7A, s2;
	p2 =	seq.s32 @!p0 s5, $0x0  }
0x1f: {  	s9 =	smul.u32 $0xF7A, s1;
	s8 =	simm.s32 @!p0 $0x1BF5;
	p2 =	por !p2, p0  }
0x20: {  	[sflag:s8] =	ssyncset.s32 @!p0 $0xFFFFF086;
	s6 =	sadd.s32 @!p0 s3, s7;
	s7 =	simm.s32 @!p0 $0x108  }
0x21: {  	s3 =	sadd.s32 s3, s9;
	s6 =	sadd.s32 @!p0 $0x88, s6;
	s7 =	simm.s32 @p2 $0x1082  }
0x22: {  	[simem:s7], [sflag:s8] =	dma.local @!p0 [hbm:s6], $0xF7A  }
0x23: {  	s9 =	sor.u32 $0xD0000000, s2;
	s6 =	simm.s32 $0x108;
	_ =	swait.ge @!p0 [sflag:s8], $0x0  }
0x24: {  	s3 =	sadd.s32 $0x88, s3;
	s6 =	simm.s32 @!p1 $0x1082;
	[sflag:s4] =	ssyncset.s32 $0xFFFFF086  }
0x25: {  	[simem:s6], [sflag:s4] =	dma.local [hbm:s3], $0xF7A  }
0x26: {  	[smem:$0x3F89] =	sst s1;
	(tag) =	ssettag s2;
	_ =	strace s9  }
0x27: {  	s1 =	sld [smem:$0x3F99]  }
0x28: {  	s2 =	sld [smem:$0x3F9A]  }
0x29: {  	s4 =	sld [smem:$0x3F9C]  }
0x2a: {  	p0 =	seq.s32 s5, $0x0;
	s5 =	sld [smem:$0x3F9D]  }
0x2b: {  	s6 =	sld [smem:$0x3F9E]  }
0x2c: {  	s7 =	sld [smem:$0x3F9F]  }
0x2d: {  	s3 =	simm.s32 $0x108;
	s8 =	sld [smem:$0x3FA0]  }
0x2e: {  	s3 =	simm.s32 @!p0 $0x1082;
	s9 =	sld [smem:$0x3FA1]  }
0x2f: {  	lr =	sadd.s32 s0, s3;
	s0 =	sld [smem:$0x3F98]  }
0x30: {  	s3 =	sld [smem:$0x3F9B]  }
0x31: {  	[smem:$0x3FA4] =	sst s10  }
0x32: {  	s10 =	sld [smem:$0x3FA2];
	_ =	sdelay $0x3  }
0x33: {  	p0 =	seq.s32 s10, $0x1;
	s10 =	sld [smem:$0x3FA4];
	_ =	sdelay $0x3  }
0x34: {  	[smem:$0x3FA4] =	sst s10  }
0x35: {  	s10 =	sld [smem:$0x3FA3];
	_ =	sdelay $0x3  }
0x36: {  	p1 =	seq.s32 s10, $0x1;
	s10 =	sld [smem:$0x3FA4];
	_ =	sdelay $0x3  }
0x37: {  	[smem:$0x3FA4] =	sst s10  }
0x38: {  	s10 =	sld [smem:$0x3FA5]  }
0x39: {  	_ = 	snop;
	(pc) =	sbr.ind lr, $3  }
0x3a: {  	_ = 	snop  }
0x3b: {  	_ = 	snop  }
0x3c: {  	p2 =	seq.s32 s10, $0x1;
	s10 =	sld [smem:$0x3FA4]  }
0x3d: {  	_ =	shalt  }
0x3e: {  	_ =	shalt  }
0x3f: {  	_ =	shalt  }
0x40: {  	_ =	shalt  }
0x41: {  	_ =	shalt  }
0x42: {  	_ =	shalt  }
0x43: {  	_ =	shalt  }
0x44: {  	_ =	shalt  }
0x45: {  	_ =	shalt  }
0x46: {  	_ =	shalt  }
0x47: {  	_ =	shalt  }
0x48: {  	_ =	shalt  }
0x49: {  	_ =	shalt  }
0x4a: {  	_ =	shalt  }
0x4b: {  	_ =	shalt  }
0x4c: {  	_ =	shalt  }
0x4d: {  	_ =	shalt  }
0x4e: {  	_ =	shalt  }
0x4f: {  	_ =	shalt  }
0x50: {  	_ =	shalt  }
0x51: {  	_ =	shalt  }
0x52: {  	_ =	shalt  }
0x53: {  	_ =	shalt  }
0x54: {  	_ =	shalt  }
0x55: {  	_ =	shalt  }
0x56: {  	_ =	shalt  }
0x57: {  	_ =	shalt  }
0x58: {  	_ =	shalt  }
0x59: {  	_ =	shalt  }
0x5a: {  	_ =	shalt  }
0x5b: {  	_ =	shalt  }
0x5c: {  	_ =	shalt  }
0x5d: {  	_ =	shalt  }
0x5e: {  	_ =	shalt  }
0x5f: {  	_ =	shalt  }
0x60: {  	_ =	shalt  }
0x61: {  	_ =	shalt  }
0x62: {  	_ =	shalt  }
0x63: {  	_ =	shalt  }
0x64: {  	_ =	shalt  }
0x65: {  	_ =	shalt  }
0x66: {  	_ =	shalt  }
0x67: {  	_ =	shalt  }
0x68: {  	_ =	shalt  }
0x69: {  	_ =	shalt  }
0x6a: {  	_ =	shalt  }
0x6b: {  	_ =	shalt  }
0x6c: {  	_ =	shalt  }
0x6d: {  	_ =	shalt  }
0x6e: {  	_ =	shalt  }
0x6f: {  	_ =	shalt  }
0x70: {  	_ =	shalt  }
0x71: {  	_ =	shalt  }
0x72: {  	_ =	shalt  }
0x73: {  	_ =	shalt  }
0x74: {  	_ =	shalt  }
0x75: {  	_ =	shalt  }
0x76: {  	_ =	shalt  }
0x77: {  	_ =	shalt  }
0x78: {  	_ =	shalt  }
0x79: {  	_ =	shalt  }
0x7a: {  	_ =	shalt  }
0x7b: {  	_ =	shalt  }
0x7c: {  	_ =	shalt  }
0x7d: {  	_ =	shalt  }
0x7e: {  	_ =	shalt  }
0x7f: {  	_ =	shalt  }
0x80: {  	_ =	shalt  }
0x81: {  	_ =	shalt  }
0x82: {  	_ =	shalt  }
0x83: {  	_ =	shalt  }
0x84: {  	_ =	shalt  }
0x85: {  	_ =	shalt  }
0x86: {  	_ =	shalt  }
0x87: {  	_ =	shalt  }
.Lfunc_end0:
.L_simem_size_0:
called_computation_lowered:
.L_overlay_start_0:
0x88: {  	s2 =	sld [smem:$0x3FD9]  }
0x89: {  	s3 =	sld [smem:$0x3FFE];
	_ =	sdelay $0x1  }
0x8a: {  	s1 =	srdreg.scid  }
0x8b: {  	s0 =	sand.u32 $0x1, s1  }
0x8c: {  	s14 =	sshll.u32 s0, $0xA;
	s2 =	sadd.s32 s3, s2  }
0x8d: {  	s2 =	sadd.s32 s2, s14  }
0x8e: {  	[smem:$0x3FB0] =	sst s2  }
0x8f: {  	_ = 	snop  }
0x90: {  	s2 =	sld [smem:$0x3FD0];
	_ =	sdelay $0x2  }
0x91: {  	s15 =	simm.s32 $0xA;
	s4 =	simm.s32 $0x10  }
0x92: {  	[smem:s4], [sflag:s15] =	dma.local [hbm:s2], $0x1  }
0x93: {  	_ =	swait.eq [sflag:s15], $0x1  }
0x94: {  	[sflag:s15] =	ssyncset.done $0x0  }
0x95: {  	s16 =	sld [smem:$0x10];
	[sflag:s15] =	ssyncadd.s32 $0xFFFFFFFF  }
0x96: {  	s17 =	sld [smem:$0x11];
	(tm) =	ssettm $0x1  }
0x97: {  	s18 =	sld [smem:$0x3FFB];
	_ =	sdelay $0x3  }
0x98: {  	_ =	strace s18  }
0x99: {  	s4 =	sld [smem:$0x3FFC];
	_ =	sdelay $0x3  }
0x9a: {  	_ =	strace s4  }
0x9b: {  	s4 =	sld [smem:$0x3FFD];
	_ =	sdelay $0x3  }
0x9c: {  	_ =	strace s4  }
0x9d: {  	_ =	strace $0x8FFFFFFF  }
0x9e: {  	s19 =	sld [smem:$0x3FDB];
	_ =	sdelay $0x1  }
0x9f: {  	s5 =	simm.s32 $_scs_section_size  }
0xa0: {  	s6 =	simm.s32 $_size__tile_overlayer_lowered;
	s7 =	simm.s32 $_tile_overlayer_lowered  }
0xa1: {  	s22 =	simm.s32 $0x1BFF;
	s21 =	sshll.u32 s7, $0x1;
	s4 =	sadd.s32 s5, s19  }
0xa2: {  	s8 =	simm.s32 $0x0;
	s20 =	sshll.u32 s6, $0x1;
	s6 =	sadd.s32 s21, s4  }
0xa3: {  	[timem:s8], [sflag:s22] =	dma.local [hbm:s6], s20  }
0xa4: {  	_ =	swait.ge [sflag:s22], s20  }
0xa5: {  	s5 =	ssub.s32 $0x0, s20;
	[sflag:s22] =	ssyncset.done $0x0  }
0xa6: {  	[sflag:s22] =	ssyncadd.s32 s5;
	_ =	sdelay $0x1  }
0xa7: {  	s23 =	simm.s32 $0x1B8B  }
0xa8: {  	_ =	swait.ge [sflag:s23], $0x1  }
0xa9: {  	[sflag:s23] =	ssyncset.done $0x0  }
0xaa: {  	s25 =	simm.s32 $0x1B8E;
	s24 =	sld [smem:$0x3FFE];
	[sflag:s23] =	ssyncadd.s32 $0xFFFFFFFF  }
0xab: {  	s26 =	simm.s32 $execute0_lowered;
	[smem:$0x3FD2] =	sst s25  }
0xac: {  	s6 =	sshll.u32 s26, $0x1;
	_ =	strace $0x80000046;
	[dreg:$0x1] =	wrdreg $0xFFFFFFFF  }
0xad: {  	s28 =	simm.s32 $_size_execute0_lowered;
	s4 =	sadd.s32 s4, s6;
	[dreg:$0x0] =	wrdreg $0x0  }
0xae: {  	s6 =	sshll.u32 s28, $0x1;
	[dreg:$0x2] =	wrdreg s4  }
0xaf: {  	[dreg:$0x3] =	wrdreg s6  }
0xb0: {  	[dreg:$0x4] =	wrdreg $0xC0  }
0xb1: {  	_ =	task [dreg:s8], $0x5FFFF  }
0xb2: {  	[dreg:$0x1] =	wrdreg $0xFFFFFFFF  }
0xb3: {  	[dreg:$0x0] =	wrdreg $0x60  }
0xb4: {  	[dreg:$0x2] =	wrdreg s24  }
0xb5: {  	[dreg:$0x3] =	wrdreg s17  }
0xb6: {  	[dreg:$0x4] =	wrdreg s16  }
0xb7: {  	[dreg:$0x5] =	wrdreg $0xED000  }
0xb8: {  	[dreg:$0x6] =	wrdreg $0x1BD000  }
0xb9: {  	[dreg:$0x7] =	wrdreg $0x9  }
0xba: {  	_ =	task.clear_ibuf [dreg:s8], $0x8FFFF;
	_ =	strace $0x90000046  }
0xbb: {  	s29 =	simm.s32 $0x9;
	_ =	strace $0x80000048  }
0xbc: {  	_ =	swait.ge [sflag:s29], $0x1  }
0xbd: {  	[sflag:s29] =	ssyncadd.s32 $0xFFFFFFFF  }
0xbe: {  	_ =	strace $0x90000048  }
0xbf: {  	_ =	sfence  }
0xc0: {  	s30 =	sld [smem:$0x0];
	_ =	sdelay $0x2  }
0xc1: {  	s31 =	sshll.u32 s1, $0xD;
	s1 =	sshrl.u32 s1, $0x2  }
0xc2: {  	s3 =	sand.u32 $0x4000, s31;
	s1 =	sadd.s32 s1, s30  }
0xc3: {  	s0 =	sor.u32 s3, s0;
	s1 =	sshll.u32 s1, $0x11  }
0xc4: {  	s0 =	sor.u32 s1, s0  }
0xc5: {  	s0 =	sadd.s32 $0x8F2B, s0  }
0xc6: {  	[sflag:s0] =	ssyncadd.remote.s32 $0x1  }
0xc7: {  	_ =	sfence.sel $0xFFFF  }
0xc8: {  	[dreg:$0x0] =	wrdreg $0xFFFFFFFF;
	(pc) =	sbr.abs _section_cstart, $3  }
0xc9: {  	[dreg:$0x1] =	wrdreg $0xFFFFFFFF  }
0xca: {  	_ =	task.clear_ibuf [dreg:s8], $0x2FFFF;
	_ =	strace $0x9FFFFFFF  }
0xcb: {  	(tm) =	ssettm $0x7FFFFFFF  }
tec
execute0_lowered:
.L_overlay_start_1:
0x0: {  	(tag) =	ssettag $0x1  }
0x1: {  	s0 =	rddreg [dreg:$0x0]  }
0x2: {  	s1 =	rddreg [dreg:$0x1]  }
0x3: {  	s7 =	rddreg [dreg:$0x2];
	s3 =	srdreg.scid  }
0x4: {  	s13 =	stileid.u32;
	s2 =	rddreg [dreg:$0x3]  }
0x5: {  	s4 =	simm.s32 $0x0;
	s28 =	simm.s32 $0x18D00;
	s8 =	smul.u32 $0xA000, s13  }
0x6: {  	s29 =	simm.s32 $0x1;
	s30 =	simm.s32 $0x9C80;
	s11 =	smul.u32 $0x2800, s13  }
0x7: {  	s6 =	sand.u32 $0x1, s3;
	s3 =	rddreg [dreg:$0x4];
	s18 =	smul.u32 $0x28000, s13  }
0x8: {  	s31 =	simm.s32 $0x0;
	[smem:$0x7FF] =	sst s4;
	s9 =	smul.u32 $0xA0000, s6  }
0x9: {  	s5 =	sadd.s32 $0x51A00, s0;
	s10 =	smul.u32 $0x28000, s6;
	s19 =	ssub.s32 $0x2, s6  }
0xa: {  	_ =	strace $0x80000047;
	s6 =	sshll.u32 s6, $0x4;
	s12 =	sshrl.u32 s19, $0x1  }
0xb: {  	s14 =	sor.u32 s13, s6;
	s6 =	sadd.s32 s8, s2;
	s9 =	sadd.s32 s8, s9  }
0xc: {  	s10 =	sadd.s32 s11, s10;
	s11 =	sshrl.u32 s18, $0x2;
	s21 =	ssub.s32 s19, s12  }
0xd: {  	s18 =	smul.u32 $0x9D0, s14;
	s8 =	sshrl.u32 s8, $0x2;
	s9 =	sshrl.u32 s9, $0x3  }
0xe: {  	s10 =	sshrl.u32 s10, $0x3;
	s15 =	sadd.s32 s11, s2;
	s16 =	sadd.s32 s8, s3  }
0xf: {  	s21 =	smax.u32 s21, $0x1;
	s9 =	sadd.s32 s9, s0;
	s20 =	sadd.s32 $0x1000, s15  }
0x10: {  	s0 =	sadd.s32 s10, s0;
	s22 =	sadd.s32 $0x2000, s15;
	[dreg:$0x6] =	wrdreg s20  }
0x11: {  	s23 =	sadd.s32 $0x3000, s15;
	s24 =	sadd.s32 $0x4000, s15;
	[dreg:$0x7] =	wrdreg s22  }
0x12: {  	s25 =	sadd.s32 $0x5000, s15;
	s26 =	sadd.s32 $0x6000, s15;
	[dreg:$0x8] =	wrdreg s23  }
0x13: {  	s13 =	sadd.s32 $0x7000, s15;
	s14 =	sadd.s32 $0x8000, s15;
	[dreg:$0x9] =	wrdreg s24  }
0x14: {  	s15 =	sadd.s32 $0x9000, s15;
	s17 =	sadd.s32 s1, s18;
	[dreg:$0xa] =	wrdreg s25  }
0x15: {  	s18 =	sadd.s32 s7, s18;
	[dreg:$0xb] =	wrdreg s26;
	s19 =	sadd.s32 $0x78C00, s9  }
0x16: {  	v0 =	vimm.f32 $0.0e+00;
	vm0 =	vcmask $0x300;
	s20 =	sadd.s32 $0xA0C00, s0;
	s22 =	simm.s32 $0xDD00;
	s23 =	simm.s32 $0x3  }
0x17: {  	v1 =	vsel vm0, $0x3F800000, v0;
	s24 =	simm.s32 $0x19500;
	s25 =	simm.s32 $0x9D00;
	s26 =	simm.s32 $0x80  }
.LBB2_1:
0x18: {  	s1 =	simm.s32 $0x100;
	s0 =	simm.s32 $0x0  }
.LBB2_2:
0x19: {  	p0 =	sne.s32 s1, $0x3F00;
	[tilespmem:s0+$0xDD30] =	vst v0;
	s7 =	smov.u32 s1;
	s1 =	sadd.s32 $0x100, s1  }
.Ltmp0:
0x1a: {  	[tilespmem:s0+$0xDD20] =	vst v0;
	(pc) =	sbr.rel @p0 .LBB2_2-.Ltmp0, $3  }
0x1b: {  	[tilespmem:s0+$0xDD00] =	vst v0  }
0x1c: {  	[tilespmem:s0+$0xDD10] =	vst v0;
	_ =	sdelay $0x1  }
0x1d: {  	s0 =	sshra.s32 s7, $0x2  }
0x1e: {  	[tilespmem:s0+$0xDD30] =	vst v0  }
0x1f: {  	[tilespmem:s0+$0xDD20] =	vst v0  }
0x20: {  	[tilespmem:s0+$0xDD00] =	vst v0  }
0x21: {  	[tilespmem:s0+$0xDD10] =	vst v0  }
0x22: {  	[spmem:s6] =	stream.linear.scatter [tilespmem:s22], [sflag:$0x3], $0x1000, $0x38;
	[tilespmem:$0x1E500] =	vst v63  }
0x23: {  	_ =	swait.ge [sflag:s23], $0x1000  }
0x24: {  	[sflag:s23] =	ssyncset.done $0x0  }
0x25: {  	s7 =	rddreg [dreg:$0x6];
	[sflag:s23] =	ssyncadd.s32 $0xFFFFF000  }
0x26: {  	[spmem:s7] =	stream.linear.scatter [tilespmem:s22], [sflag:$0x3], $0x1000, $0x38;
	[tilespmem:$0x1E500] =	vst v63  }
0x27: {  	_ =	swait.ge [sflag:s23], $0x1000  }
0x28: {  	[sflag:s23] =	ssyncset.done $0x0  }
0x29: {  	s8 =	rddreg [dreg:$0x7];
	[sflag:s23] =	ssyncadd.s32 $0xFFFFF000  }
0x2a: {  	[spmem:s8] =	stream.linear.scatter [tilespmem:s22], [sflag:$0x3], $0x1000, $0x38;
	[tilespmem:$0x1E500] =	vst v63  }
0x2b: {  	_ =	swait.ge [sflag:s23], $0x1000  }
0x2c: {  	[sflag:s23] =	ssyncset.done $0x0  }
0x2d: {  	s9 =	rddreg [dreg:$0x8];
	[sflag:s23] =	ssyncadd.s32 $0xFFFFF000  }
0x2e: {  	[spmem:s9] =	stream.linear.scatter [tilespmem:s22], [sflag:$0x3], $0x1000, $0x38;
	[tilespmem:$0x1E500] =	vst v63  }
0x2f: {  	_ =	swait.ge [sflag:s23], $0x1000  }
0x30: {  	[sflag:s23] =	ssyncset.done $0x0  }
0x31: {  	s10 =	rddreg [dreg:$0x9];
	[sflag:s23] =	ssyncadd.s32 $0xFFFFF000  }
0x32: {  	[spmem:s10] =	stream.linear.scatter [tilespmem:s22], [sflag:$0x3], $0x1000, $0x38;
	[tilespmem:$0x1E500] =	vst v63  }
0x33: {  	_ =	swait.ge [sflag:s23], $0x1000  }
0x34: {  	[sflag:s23] =	ssyncset.done $0x0  }
0x35: {  	s11 =	rddreg [dreg:$0xa];
	[sflag:s23] =	ssyncadd.s32 $0xFFFFF000  }
0x36: {  	[spmem:s11] =	stream.linear.scatter [tilespmem:s22], [sflag:$0x3], $0x1000, $0x38;
	[tilespmem:$0x1E500] =	vst v63  }
0x37: {  	_ =	swait.ge [sflag:s23], $0x1000  }
0x38: {  	[sflag:s23] =	ssyncset.done $0x0  }
0x39: {  	s12 =	rddreg [dreg:$0xb];
	[sflag:s23] =	ssyncadd.s32 $0xFFFFF000  }
0x3a: {  	[spmem:s12] =	stream.linear.scatter [tilespmem:s22], [sflag:$0x3], $0x1000, $0x38;
	[tilespmem:$0x1E500] =	vst v63  }
0x3b: {  	_ =	swait.ge [sflag:s23], $0x1000  }
0x3c: {  	[sflag:s23] =	ssyncset.done $0x0  }
0x3d: {  	[sflag:s23] =	ssyncadd.s32 $0xFFFFF000  }
0x3e: {  	[spmem:s13] =	stream.linear.scatter [tilespmem:s22], [sflag:$0x3], $0x1000, $0x38;
	[tilespmem:$0x1E500] =	vst v63  }
0x3f: {  	_ =	swait.ge [sflag:s23], $0x1000  }
0x40: {  	[sflag:s23] =	ssyncset.done $0x0  }
0x41: {  	[sflag:s23] =	ssyncadd.s32 $0xFFFFF000  }
0x42: {  	[spmem:s14] =	stream.linear.scatter [tilespmem:s22], [sflag:$0x3], $0x1000, $0x38;
	[tilespmem:$0x1E500] =	vst v63  }
0x43: {  	_ =	swait.ge [sflag:s23], $0x1000  }
0x44: {  	[sflag:s23] =	ssyncset.done $0x0  }
0x45: {  	[sflag:s23] =	ssyncadd.s32 $0xFFFFF000  }
0x46: {  	[spmem:s15] =	stream.linear.scatter [tilespmem:s22], [sflag:$0x3], $0x1000, $0x38;
	[tilespmem:$0x1E500] =	vst v63  }
0x47: {  	_ =	swait.ge [sflag:s23], $0x1000  }
0x48: {  	[sflag:s23] =	ssyncset.done $0x0  }
0x49: {  	s0 =	simm.s32 $0x40;
	s1 =	simm.s32 $0x0;
	[sflag:s23] =	ssyncadd.s32 $0xFFFFF000  }
.LBB2_4:
0x4a: {  	p0 =	sne.s32 s0, $0x1FC0;
	[tilespmem:s1+$0x18D00] =	vst v1;
	s1 =	smov.u32 s0;
	s0 =	sadd.s32 $0x40, s0  }
.Ltmp1:
0x4b: {  	(pc) =	sbr.rel @p0 .LBB2_4-.Ltmp1, $2  }
0x4c: {  	_ =	sdelay $0x2  }
0x4d: {  	s1 =	sshra.s32 s1, $0x2  }
0x4e: {  	[tilespmem:s1+$0x18D00] =	vst v1;
	s0 =	simm.s32 $0x40;
	s1 =	simm.s32 $0x0  }
.LBB2_6:
0x4f: {  	p0 =	sne.s32 s0, $0x9FC0;
	[tilespmem:s1+$0x19500] =	vst v0;
	s1 =	smov.u32 s0;
	s0 =	sadd.s32 $0x40, s0  }
.Ltmp2:
0x50: {  	(pc) =	sbr.rel @p0 .LBB2_6-.Ltmp2, $2  }
0x51: {  	_ =	sdelay $0x2  }
0x52: {  	s1 =	sshra.s32 s1, $0x2  }
0x53: {  	[tilespmem:s1+$0x19500] =	vst v0  }
0x54: {  	[spmem:s16] =	stream.linear.scatter [tilespmem:s24], [sflag:$0x3], $0x2800, $0x38;
	[tilespmem:$0x1E500] =	vst v63  }
0x55: {  	_ =	swait.ge [sflag:s23], $0x2800  }
0x56: {  	[sflag:s23] =	ssyncset.done $0x0  }
0x57: {  	[sflag:s23] =	ssyncadd.s32 $0xFFFFD800  }
0x58: {  	[tilespmem:s4], [sflag:$0x3] =	stream.linear.gather [hbm4b:s17+s4], $0x4E80, $0x38;
	[tilespmem:$0x1E500] =	vst v63  }
0x59: {  	_ =	swait.ge [sflag:s23], $0x4E80  }
0x5a: {  	[sflag:s23] =	ssyncset.done $0x0  }
0x5b: {  	s0 =	simm.s32 $0x4E80;
	[sflag:s23] =	ssyncadd.s32 $0xFFFFB180  }
0x5c: {  	[tilespmem:s0], [sflag:$0x3] =	stream.linear.gather [hbm4b:s18+s4], $0x4E80, $0x38;
	[tilespmem:$0x1E500] =	vst v63  }
0x5d: {  	_ =	swait.ge [sflag:s23], $0x4E80  }
0x5e: {  	s11 =	simm.s32 $0x80;
	s7 =	simm.s32 $0x1;
	[sflag:s23] =	ssyncset.done $0x0  }
0x5f: {  	s8 =	simm.s32 $0x0;
	s7 =	sand.u32 $0x1, s7;
	[sflag:s23] =	ssyncadd.s32 $0xFFFFB180  }
0x60: {  	s8 =	sand.u32 $0x1, s8;
	s9 =	sshll.u32 s7, $0xD;
	[bflag:$0x0] =	sbarrier.arrive $0xFFFF  }
0x61: {  	[tilespmem:s25], [sflag:$0x1] =	stream.indirect.gather [hbm4b:s5+s11], $0x40, s4, s11, $0xb8;
	[tilespmem:$0x1E500] =	vst v63  }
0x62: {  	s7 =	sadd.s32 $0x1, s7;
	s10 =	sadd.s32 $0x1, s8;
	s9 =	sor.u32 $0x9D00, s9  }
0x63: {  	[tilespmem:s9], [sflag:s7] =	stream.indirect.gather [hbm4b:s5+s26], $0x40, s11, s26, $0xb8;
	[tilespmem:$0x1E500] =	vst v63  }
0x64: {  	_ =	swait.ge [sflag:s10], $0x2000  }
0x65: {  	s12 =	sshll.u32 s8, $0xD;
	[sflag:s10] =	ssyncset.done $0x0  }
0x66: {  	s1 =	sor.u32 $0x9D00, s12;
	[sflag:s10] =	ssyncadd.s32 $0xFFFFE000  }
0x67: {  	[spmem:s2] =	stream.indirect.scatter.add.f32 [tilespmem:s1], [sflag:$0x3], $0x40, s0, s26, $0xb8;
	[tilespmem:$0x1E500] =	vst v63  }
0x68: {  	_ =	swait.ge [sflag:s23], $0x2000  }
0x69: {  	s8 =	simm.s32 $0x2;
	[sflag:s23] =	ssyncset.done $0x0  }
0x6a: {  	s7 =	simm.s32 $0x3;
	s9 =	sand.u32 $0x1, s8;
	[sflag:s23] =	ssyncadd.s32 $0xFFFFE000  }
0x6b: {  	[spmem:s3] =	stream.indirect.scatter.add.f32 [tilespmem:s28], [sflag:$0x3], $0x10, s0, s26, $0xb8;
	[tilespmem:$0x1E500] =	vst v63  }
0x6c: {  	s1 =	simm.s32 $0x4F00;
	s0 =	simm.s32 $0x100;
	_ =	swait.ge [sflag:s23], $0x800  }
.LBB2_8:
0x6d: {  	s10 =	sadd.s32 $0xFFFFFFFF, s8  }
0x6e: {  	s11 =	sshll.u32 s9, $0xD;
	[sflag:s23] =	ssyncset.done $0x0;
	s8 =	smov.u32 s7  }
0x6f: {  	s9 =	sadd.s32 $0x1, s9;
	s10 =	sand.u32 $0x1, s10;
	s11 =	sor.u32 $0x9D00, s11  }
0x70: {  	s12 =	sshll.u32 s10, $0xD;
	s10 =	sadd.s32 $0x1, s10;
	[sflag:s23] =	ssyncadd.s32 $0xFFFFF800  }
0x71: {  	[tilespmem:s11], [sflag:s9] =	stream.indirect.gather [hbm4b:s5+s26], $0x40, s0, s26, $0xb8;
	[tilespmem:$0x1E500] =	vst v63  }
0x72: {  	p0 =	sne.s32 s7, $0x9C;
	s7 =	sadd.s32 $0x1, s7;
	_ =	swait.ge [sflag:s10], $0x2000  }
0x73: {  	s9 =	sor.u32 $0x9D00, s12;
	[sflag:s10] =	ssyncset.done $0x0  }
0x74: {  	[sflag:s10] =	ssyncadd.s32 $0xFFFFE000  }
0x75: {  	[spmem:s2] =	stream.indirect.scatter.add.f32 [tilespmem:s9], [sflag:$0x3], $0x40, s1, s26, $0xb8;
	[tilespmem:$0x1E500] =	vst v63  }
.Ltmp3:
0x76: {  	_ =	swait.ge [sflag:s23], $0x2000;
	(pc) =	sbr.rel @p0 .LBB2_8-.Ltmp3, $4  }
0x77: {  	[sflag:s23] =	ssyncset.done $0x0  }
0x78: {  	s0 =	sadd.s32 $0x80, s0;
	[sflag:s23] =	ssyncadd.s32 $0xFFFFE000  }
0x79: {  	[spmem:s3] =	stream.indirect.scatter.add.f32 [tilespmem:s28], [sflag:$0x3], $0x10, s1, s26, $0xb8;
	[tilespmem:$0x1E500] =	vst v63  }
0x7a: {  	s9 =	sand.u32 $0x1, s8;
	s1 =	sadd.s32 $0x80, s1;
	_ =	swait.ge [sflag:s23], $0x800  }
0x7b: {  	s7 =	sadd.s32 $0xFFFFFFFF, s8;
	s11 =	sshll.u32 s9, $0xD  }
0x7c: {  	[sflag:s23] =	ssyncset.done $0x0;
	s12 =	sadd.s32 $0x1, s9;
	s7 =	sand.u32 $0x1, s7  }
0x7d: {  	s8 =	sor.u32 $0x9D00, s11;
	[sflag:s23] =	ssyncadd.s32 $0xFFFFF800;
	s10 =	sadd.s32 $0x1, s7  }
0x7e: {  	[tilespmem:s8], [sflag:s12] =	stream.indirect.gather [hbm4b:s5+s26], $0x40, s0, s26, $0xb8;
	[tilespmem:$0x1E500] =	vst v63  }
0x7f: {  	_ =	swait.ge [sflag:s10], $0x2000  }
0x80: {  	s9 =	sshll.u32 s7, $0xD;
	[sflag:s10] =	ssyncset.done $0x0  }
0x81: {  	s0 =	sor.u32 $0x9D00, s9;
	[sflag:s10] =	ssyncadd.s32 $0xFFFFE000  }
0x82: {  	[spmem:s2] =	stream.indirect.scatter.add.f32 [tilespmem:s0], [sflag:$0x3], $0x40, s1, s26, $0xb8;
	[tilespmem:$0x1E500] =	vst v63  }
0x83: {  	_ =	swait.ge [sflag:s23], $0x2000  }
0x84: {  	[sflag:s23] =	ssyncset.done $0x0  }
0x85: {  	[sflag:s23] =	ssyncadd.s32 $0xFFFFE000  }
0x86: {  	[spmem:s3] =	stream.indirect.scatter.add.f32 [tilespmem:s28], [sflag:$0x3], $0x10, s1, s26, $0xb8;
	[tilespmem:$0x1E500] =	vst v63  }
0x87: {  	_ =	swait.ge [sflag:s23], $0x800  }
0x88: {  	[sflag:s23] =	ssyncset.done $0x0  }
0x89: {  	[sflag:s23] =	ssyncadd.s32 $0xFFFFF800  }
0x8a: {  	_ =	swait.ge [sflag:s29], $0x2000  }
0x8b: {  	[sflag:s29] =	ssyncset.done $0x0  }
0x8c: {  	[sflag:s29] =	ssyncadd.s32 $0xFFFFE000  }
0x8d: {  	[spmem:s2] =	stream.indirect.scatter.add.f32 [tilespmem:s25], [sflag:$0x3], $0x40, s30, s26, $0xb8;
	[tilespmem:$0x1E500] =	vst v63  }
0x8e: {  	_ =	swait.ge [sflag:s23], $0x2000  }
0x8f: {  	[sflag:s23] =	ssyncset.done $0x0  }
0x90: {  	[sflag:s23] =	ssyncadd.s32 $0xFFFFE000  }
0x91: {  	[spmem:s3] =	stream.indirect.scatter.add.f32 [tilespmem:s28], [sflag:$0x3], $0x10, s30, s26, $0xb8;
	[tilespmem:$0x1E500] =	vst v63  }
0x92: {  	_ =	swait.ge [sflag:s23], $0x800  }
0x93: {  	s11 =	stileid.u32;
	[sflag:s23] =	ssyncset.done $0x0  }
0x94: {  	s0 =	sshll.u32 s11, $0x6;
	[sflag:s23] =	ssyncadd.s32 $0xFFFFF800  }
0x95: {  	s12 =	sshrl.u32 s6, $0x3;
	s0 =	sor.u32 $0x1C03, s0;
	[bflag:$0x0] =	sbarrier.arrive $0xFFFF  }
0x96: {  	[hbm:s19], [sflag:s0] =	dma.local [spmem:s12], $0x1400  }
0x97: {  	_ =	swait.ge [sflag:s23], $0x1400  }
0x98: {  	[sflag:s23] =	ssyncset.done $0x0  }
0x99: {  	[sflag:s23] =	ssyncadd.s32 $0xFFFFEC00  }
0x9a: {  	[tilespmem:s24], [sflag:$0x3] =	stream.linear.gather [spmem:s16], $0x2800, $0x38;
	[tilespmem:$0x1E500] =	vst v63  }
0x9b: {  	_ =	swait.ge [sflag:s23], $0x2800  }
0x9c: {  	[sflag:s23] =	ssyncset.done $0x0  }
0x9d: {  	s1 =	simm.s32 $0x40;
	s0 =	simm.s32 $0x0;
	[sflag:s23] =	ssyncadd.s32 $0xFFFFD800  }
.LBB2_10:
0x9e: {  	p0 =	sne.s32 s1, $0x9FC0;
	v2 =	vld [tilespmem:s0+$0x19500];
	_ =	sdelay $0x4  }
0x9f: {  	v2 =	vmax.f32 v2, $1.000000000e+00  }
0xa0: {  	(erf) = vrcp.f32 v2;
	_ =	sdelay $0x5  }
.Ltmp4:
0xa1: {  	(pc) =	sbr.rel @p0 .LBB2_10-.Ltmp4, $3  }
0xa2: {  	_ =	sdelay $0x1  }
0xa3: {  	v2 =	vpop (erf)  }
0xa4: {  	[tilespmem:s0+$0x19500] =	vst v2;
	s0 =	sshra.s32 s1, $0x2;
	s1 =	sadd.s32 $0x40, s1  }
0xa5: {  	v2 =	vld [tilespmem:s0+$0x19500];
	_ =	sdelay $0x4  }
0xa6: {  	v2 =	vmax.f32 v2, $1.000000000e+00  }
0xa7: {  	(erf) = vrcp.f32 v2;
	_ =	sdelay $0x7  }
0xa8: {  	s31 =	sadd.s32 $0x1, s31  }
0xa9: {  	p0 =	sne.s32 s31, s21;
	v2 =	vpop (erf)  }
.Ltmp5:
0xaa: {  	[tilespmem:s0+$0x19500] =	vst v2;
	(pc) =	sbr.rel @p0 .LBB2_1-.Ltmp5, $4  }
0xab: {  	[hbm4b:s20+s4] =	stream.linear.scatter [tilespmem:s24], [sflag:$0x3], $0x2800, $0x38;
	[tilespmem:$0x1E500] =	vst v63  }
0xac: {  	_ =	swait.ge [sflag:s23], $0x2800  }
0xad: {  	[sflag:s23] =	ssyncset.done $0x0  }
0xae: {  	[sflag:s23] =	ssyncadd.s32 $0xFFFFD800  }
0xaf: {  	_ =	sfence.sel $0x180000  }
0xb0: {  	[bflag:$0x0] =	sbarrier.arrive $0xFFFF  }
0xb1: {  	_ =	strace $0x90000047  }
0xb2: {  	s0 =	stileid.u32;
	[bflag:$0x2] =	sbarrier.arrive $0xFFFF  }
0xb3: {  	p0 =	sne.s32 s0, $0x0;
	s0 =	rddreg [dreg:$0x5]  }
0xb4: {  	s0 =	sadd.s32 @!p0 $0x100000, s0  }
0xb5: {  	[sflag:s0] =	ssyncadd.tile.s32 @!p0 $0x1;
	_ =	shalt  }
.Lfunc_end2:
_tile_overlayer_lowered:
.L_overlay_start_2:
0xb6: {  	(tag) =	ssettag $0x2  }
0xb7: {  	s0 =	rddreg [dreg:$0x0];
	s2 =	stileid.u32  }
0xb8: {  	s1 =	rddreg [dreg:$0x1];
	p0 =	sne.s32 s2, $0x0  }
0xb9: {  	s3 =	rddreg [dreg:$0x2];
	[bflag:$0x3] =	sbarrier.arrive $0xFFFF;
	s2 =	simm.s32 @!p0 $0x1C03  }
0xba: {  	[timem:s3], [sflag:s2] =	dma.local @!p0 [hbm:s0], s1  }
0xbb: {  	s0 =	simm.s32 @!p0 $0x3  }
0xbc: {  	_ =	swait.ge @!p0 [sflag:s0], s1  }
0xbd: {  	s1 =	ssub.s32 @!p0 $0x0, s1;
	[sflag:s0] =	ssyncset.done @!p0 $0x0  }
0xbe: {  	[sflag:s0] =	ssyncadd.s32 @!p0 s1  }
0xbf: {  	[bflag:$0x3] =	sbarrier.arrive $0xFFFF  }
0xc0: {  	_ =	shalt  }

</sc_bundles>
